<compile_context>
chip_gen: v7x
topology: tpu7x:2x2x1
jax: 0.10.2.dev20260603
libtpu: 0.0.44.dev20260713+nightly
codegen_flags: <defaults>
</compile_context>

<pallas_src>
import functools

import jax
import jax.numpy as jnp
from jax import lax
from jax.experimental import pallas as pl
from jax.experimental.pallas import tpu as pltpu
from jax.experimental.pallas import tpu_sc as plsc

VOCAB = 119
D_OUT = 64
NC = 2
NS = 16
NW = NC * NS
CHUNK = 128


def _project_tables(W1, P1t, b1, W2, P2t, b2, W3, P3t, b3):
    def body(w1, p1, c1, w2, p2, c2, w3, p3, c3, t1, t2, t3):
        dn = (((1,), (0,)), ((), ()))
        for w, p, c, t in ((w1, p1, c1, t1), (w2, p2, c2, t2), (w3, p3, c3, t3)):
            t[...] = lax.dot_general(w[...], p[...], dn,
                                     preferred_element_type=jnp.float32,
                                     precision=lax.Precision.HIGHEST) + c[...]

    out_shape = [jax.ShapeDtypeStruct((VOCAB, D_OUT), jnp.float32)] * 3
    return pl.pallas_call(body, out_shape=out_shape)(
        W1, P1t, b1, W2, P2t, b2, W3, P3t, b3)


@functools.partial(jax.jit, static_argnames=("batch", "seq"))
def _sc_gather3(idx, T1, T2, T3, batch, seq):
    nb_per_w = batch // NW
    nb_chunk = 4
    c_tok = nb_chunk * seq
    n_chunks = nb_per_w // nb_chunk
    mesh = plsc.VectorSubcoreMesh(core_axis_name="c", subcore_axis_name="s")

    @functools.partial(
        pl.kernel,
        out_type=(jax.ShapeDtypeStruct((batch, seq, D_OUT), jnp.float32),) * 3,
        mesh=mesh,
        compiler_params=pltpu.CompilerParams(use_tc_tiling_on_sc=False),
        scratch_types=[
            pltpu.VMEM((c_tok,), jnp.int32),
            pltpu.VMEM((c_tok, D_OUT), jnp.float32),
            pltpu.VMEM((c_tok, D_OUT), jnp.float32),
            pltpu.VMEM((c_tok, D_OUT), jnp.float32),
            pltpu.SemaphoreType.DMA,
        ],
    )
    def k(idx_hbm, t1_hbm, t2_hbm, t3_hbm, o1, o2, o3, idx_v, r1, r2, r3, sem):
        wid = lax.axis_index("s") * NC + lax.axis_index("c")
        base = wid * nb_per_w

        def step(i, _):
            b0 = base + i * nb_chunk
            pltpu.sync_copy(idx_hbm.at[pl.ds(b0 * seq, c_tok)], idx_v)
            g1 = pltpu.async_copy(t1_hbm.at[idx_v], r1, sem)
            g2 = pltpu.async_copy(t2_hbm.at[idx_v], r2, sem)
            g3 = pltpu.async_copy(t3_hbm.at[idx_v], r3, sem)
            g1.wait()
            g2.wait()
            g3.wait()
            for j in range(nb_chunk):
                pltpu.sync_copy(r1.at[pl.ds(j * seq, seq)], o1.at[b0 + j])
                pltpu.sync_copy(r2.at[pl.ds(j * seq, seq)], o2.at[b0 + j])
                pltpu.sync_copy(r3.at[pl.ds(j * seq, seq)], o3.at[b0 + j])
            return 0

        lax.fori_loop(0, n_chunks, step, 0)

    return k(idx, T1, T2, T3)


def kernel(Z, W_m2v, W_mag, W_oli, P_m2v_w, P_m2v_b, P_mag_w, P_mag_b,
           P_oli_w, P_oli_b):
    B, S = Z.shape
    T1, T2, T3 = _project_tables(
        W_m2v, P_m2v_w.T, P_m2v_b.reshape(1, D_OUT),
        W_mag, P_mag_w.T, P_mag_b.reshape(1, D_OUT),
        W_oli, P_oli_w.T, P_oli_b.reshape(1, D_OUT))
    idx = Z.reshape(-1).astype(jnp.int32)
    return _sc_gather3(idx, T1, T2, T3, batch=B, seq=S)

# --- scband reference (transcript-rebuilt; emitter-appended) ---
"""Pipeline reference for scband-multi-descriptor-embedder-28630251995587 (READ-ONLY COPY).

The authoritative reference and input builder live on the scoring server;
editing this copy changes nothing except your own understanding.
"""

import jax, jax.numpy as jnp
import numpy as np

VOCAB = 119  # 118 elements + zero-pad row 0
D_M2V = 200
D_MAG = 22
D_OLI = 44
D_MODEL = 64
BATCH = 16384
SEQ = 20


def setup_inputs(seed: int = 0) -> dict:
    key = jax.random.key(seed)
    ks = jax.random.split(key, 10)
    Z = jax.random.randint(ks[0], (BATCH, SEQ), 0, VOCAB, dtype=jnp.int64 if jax.config.jax_enable_x64 else jnp.int32)
    # frozen descriptor tables, row 0 is the zero-pad row (as in _load)
    W_m2v = jax.random.normal(ks[1], (VOCAB, D_M2V), dtype=jnp.float32).at[0].set(0.0)
    W_mag = jax.random.normal(ks[2], (VOCAB, D_MAG), dtype=jnp.float32).at[0].set(0.0)
    W_oli = jax.random.normal(ks[3], (VOCAB, D_OLI), dtype=jnp.float32).at[0].set(0.0)
    # nn.Linear params: weight [out, in], bias [out]
    P_m2v_w = jax.random.normal(ks[4], (D_MODEL, D_M2V), dtype=jnp.float32) * (1.0 / np.sqrt(D_M2V))
    P_m2v_b = jnp.zeros((D_MODEL,), dtype=jnp.float32)
    P_mag_w = jax.random.normal(ks[5], (D_MODEL, D_MAG), dtype=jnp.float32) * (1.0 / np.sqrt(D_MAG))
    P_mag_b = jnp.zeros((D_MODEL,), dtype=jnp.float32)
    P_oli_w = jax.random.normal(ks[6], (D_MODEL, D_OLI), dtype=jnp.float32) * (1.0 / np.sqrt(D_OLI))
    P_oli_b = jnp.zeros((D_MODEL,), dtype=jnp.float32)
    return {
        "Z": Z,
        "W_m2v": W_m2v, "W_mag": W_mag, "W_oli": W_oli,
        "P_m2v_w": P_m2v_w, "P_m2v_b": P_m2v_b,
        "P_mag_w": P_mag_w, "P_mag_b": P_mag_b,
        "P_oli_w": P_oli_w, "P_oli_b": P_oli_b,
    }


def reference(Z, W_m2v, W_mag, W_oli, P_m2v_w, P_m2v_b, P_mag_w, P_mag_b, P_oli_w, P_oli_b):
    # embedding lookup (gather) followed by linear projection, x3 descriptors
    e1 = jnp.take(W_m2v, Z, axis=0)  # [B, S, 200]
    e2 = jnp.take(W_mag, Z, axis=0)  # [B, S, 22]
    e3 = jnp.take(W_oli, Z, axis=0)  # [B, S, 44]
    v1 = e1 @ P_m2v_w.T + P_m2v_b    # [B, S, d_model]
    v2 = e2 @ P_mag_w.T + P_mag_b
    v3 = e3 @ P_oli_w.T + P_oli_b
    return (v1, v2, v3)

if __name__ == "__main__":
    import jax
    _d = setup_inputs()
    print(jax.jit(kernel)(*tuple(_d.values())))

</pallas_src>

<mosaic_0001>
#map = affine_map<(d0, d1) -> (0)>
#map1 = affine_map<(d0, d1) -> (0, 0)>
#map2 = affine_map<(d0, d1) -> (0, 0, 0)>
module attributes {stable_mosaic.version = 14 : i64} {
  func.func @k(%arg0: i32, %arg1: i32, %arg2: memref<327680xi32, #tpu.memory_space<hbm>>, %arg3: memref<119x64xf32, #tpu.memory_space<hbm>>, %arg4: memref<119x64xf32, #tpu.memory_space<hbm>>, %arg5: memref<119x64xf32, #tpu.memory_space<hbm>>, %arg6: memref<16384x20x64xf32, #tpu.memory_space<hbm>>, %arg7: memref<16384x20x64xf32, #tpu.memory_space<hbm>>, %arg8: memref<16384x20x64xf32, #tpu.memory_space<hbm>>, %arg9: memref<80xi32, #tpu.memory_space<vmem>>, %arg10: memref<80x64xf32, #tpu.memory_space<vmem>>, %arg11: memref<80x64xf32, #tpu.memory_space<vmem>>, %arg12: memref<80x64xf32, #tpu.memory_space<vmem>>, %arg13: memref<!tpu.dma_semaphore, #tpu.memory_space<semaphore_mem>>) attributes {dimension_semantics = [#tpu.dimension_semantics<core_parallel>, #tpu.dimension_semantics<subcore_parallel>], iteration_bounds = array<i64: 2, 16>, scalar_prefetch = 0 : i64, scratch_operands = 5 : i64, tpu.core_type = #tpu.core_type<sc_vector_subcore>, window_params = [{transform_indices = #map}, {transform_indices = #map1}, {transform_indices = #map1}, {transform_indices = #map1}, {transform_indices = #map2}, {transform_indices = #map2}, {transform_indices = #map2}]} {
    %mul3A = arith.constant 2 : i32
    %mul3A_0 = arith.muli %arg1, %mul3A : i32
    %add3A = arith.addi %mul3A_0, %arg0 : i32
    %mul3A_1 = arith.constant 512 : i32
    %mul3A_2 = arith.muli %add3A, %mul3A_1 : i32
    %scan3A = arith.constant 0 : i32
    %scan3A_3 = arith.constant 0 : i32
    %scan3A_4 = arith.constant 128 : i32
    %scan3A_5 = arith.addi %scan3A_3, %scan3A_4 : i32
    %scan3A_6 = arith.constant 1 : i32
    %scan3A_7 = scf.for %scan3A_9 = %scan3A_3 to %scan3A_5 step %scan3A_6 iter_args(%scan3A_10 = %scan3A) -> (i32)  : i32 {
      %mul3A_11 = arith.constant 4 : i32
      %mul3A_12 = arith.muli %scan3A_9, %mul3A_11 : i32
      %add3A_13 = arith.addi %mul3A_2, %mul3A_12 : i32
      %mul3A_14 = arith.constant 20 : i32
      %mul3A_15 = arith.muli %add3A_13, %mul3A_14 : i32
      "tpu.region"() ({
        %run_scoped3A = tpu.sem_alloc : memref<!tpu.dma_semaphore, #tpu.memory_space<semaphore_mem>>
        %dma_start3A_57 = tpu.memref_slice %arg2[%mul3A_15] : memref<327680xi32, #tpu.memory_space<hbm>> -> memref<80xi32, #tpu.memory_space<hbm>>
        %dma_start3A_58 = tpu.memref_slice %arg2[%mul3A_15] : memref<327680xi32, #tpu.memory_space<hbm>> -> memref<80xi32, #tpu.memory_space<hbm>>
        tpu.enqueue_dma source(%dma_start3A_58 : memref<80xi32, #tpu.memory_space<hbm>>) target(%arg9 : memref<80xi32, #tpu.memory_space<vmem>>) target_semaphore(%run_scoped3A : memref<!tpu.dma_semaphore, #tpu.memory_space<semaphore_mem>>)
        %dma_wait3A_59 = tpu.memref_slice %arg2[%mul3A_15] : memref<327680xi32, #tpu.memory_space<hbm>> -> memref<80xi32, #tpu.memory_space<hbm>>
        %dma_wait3A_60 = tpu.memref_slice %arg2[%mul3A_15] : memref<327680xi32, #tpu.memory_space<hbm>> -> memref<80xi32, #tpu.memory_space<hbm>>
        tpu.wait_dma2 semaphore(%run_scoped3A : memref<!tpu.dma_semaphore, #tpu.memory_space<semaphore_mem>>) src(%dma_wait3A_60 : memref<80xi32, #tpu.memory_space<hbm>>) dst(%arg9 : memref<80xi32, #tpu.memory_space<vmem>>)
        tpu.yield
      }) : () -> ()
      %dma_start3A = arith.constant 0 : i32
      %dma_start3A_16 = arith.constant 0 : i32
      %dma_start3A_17 = tpu.memref_slice %arg3[%dma_start3A, %dma_start3A_16] : memref<119x64xf32, #tpu.memory_space<hbm>> -> memref<119x64xf32, #tpu.memory_space<hbm>>
      tpu.enqueue_indirect_dma source(%dma_start3A_17 : memref<119x64xf32, #tpu.memory_space<hbm>>) target(%arg10 : memref<80x64xf32, #tpu.memory_space<vmem>>) offsets(%arg9 : memref<80xi32, #tpu.memory_space<vmem>>) semaphore(%arg13 : memref<!tpu.dma_semaphore, #tpu.memory_space<semaphore_mem>>)
      %dma_start3A_18 = arith.constant 0 : i32
      %dma_start3A_19 = arith.constant 0 : i32
      %dma_start3A_20 = tpu.memref_slice %arg4[%dma_start3A_18, %dma_start3A_19] : memref<119x64xf32, #tpu.memory_space<hbm>> -> memref<119x64xf32, #tpu.memory_space<hbm>>
      tpu.enqueue_indirect_dma source(%dma_start3A_20 : memref<119x64xf32, #tpu.memory_space<hbm>>) target(%arg11 : memref<80x64xf32, #tpu.memory_space<vmem>>) offsets(%arg9 : memref<80xi32, #tpu.memory_space<vmem>>) semaphore(%arg13 : memref<!tpu.dma_semaphore, #tpu.memory_space<semaphore_mem>>)
      %dma_start3A_21 = arith.constant 0 : i32
      %dma_start3A_22 = arith.constant 0 : i32
      %dma_start3A_23 = tpu.memref_slice %arg5[%dma_start3A_21, %dma_start3A_22] : memref<119x64xf32, #tpu.memory_space<hbm>> -> memref<119x64xf32, #tpu.memory_space<hbm>>
      tpu.enqueue_indirect_dma source(%dma_start3A_23 : memref<119x64xf32, #tpu.memory_space<hbm>>) target(%arg12 : memref<80x64xf32, #tpu.memory_space<vmem>>) offsets(%arg9 : memref<80xi32, #tpu.memory_space<vmem>>) semaphore(%arg13 : memref<!tpu.dma_semaphore, #tpu.memory_space<semaphore_mem>>)
      %dma_wait3A = arith.constant 0 : i32
      %dma_wait3A_24 = arith.constant 0 : i32
      %dma_wait3A_25 = tpu.memref_slice %arg3[%dma_wait3A, %dma_wait3A_24] : memref<119x64xf32, #tpu.memory_space<hbm>> -> memref<119x64xf32, #tpu.memory_space<hbm>>
      tpu.wait_indirect_dma semaphore(%arg13 : memref<!tpu.dma_semaphore, #tpu.memory_space<semaphore_mem>>) src(%dma_wait3A_25 : memref<119x64xf32, #tpu.memory_space<hbm>>) dst(%arg10 : memref<80x64xf32, #tpu.memory_space<vmem>>)
      %dma_wait3A_26 = arith.constant 0 : i32
      %dma_wait3A_27 = arith.constant 0 : i32
      %dma_wait3A_28 = tpu.memref_slice %arg4[%dma_wait3A_26, %dma_wait3A_27] : memref<119x64xf32, #tpu.memory_space<hbm>> -> memref<119x64xf32, #tpu.memory_space<hbm>>
      tpu.wait_indirect_dma semaphore(%arg13 : memref<!tpu.dma_semaphore, #tpu.memory_space<semaphore_mem>>) src(%dma_wait3A_28 : memref<119x64xf32, #tpu.memory_space<hbm>>) dst(%arg11 : memref<80x64xf32, #tpu.memory_space<vmem>>)
      %dma_wait3A_29 = arith.constant 0 : i32
      %dma_wait3A_30 = arith.constant 0 : i32
      %dma_wait3A_31 = tpu.memref_slice %arg5[%dma_wait3A_29, %dma_wait3A_30] : memref<119x64xf32, #tpu.memory_space<hbm>> -> memref<119x64xf32, #tpu.memory_space<hbm>>
      tpu.wait_indirect_dma semaphore(%arg13 : memref<!tpu.dma_semaphore, #tpu.memory_space<semaphore_mem>>) src(%dma_wait3A_31 : memref<119x64xf32, #tpu.memory_space<hbm>>) dst(%arg12 : memref<80x64xf32, #tpu.memory_space<vmem>>)
      %add3A_32 = arith.constant 0 : i32
      %add3A_33 = arith.addi %add3A_13, %add3A_32 : i32
      "tpu.region"() ({
        %run_scoped3A = tpu.sem_alloc : memref<!tpu.dma_semaphore, #tpu.memory_space<semaphore_mem>>
        %dma_start3A_57 = arith.constant 0 : i32
        %dma_start3A_58 = arith.constant 0 : i32
        %dma_start3A_59 = tpu.memref_slice %arg10[%dma_start3A_57, %dma_start3A_58] : memref<80x64xf32, #tpu.memory_space<vmem>> -> memref<20x64xf32, #tpu.memory_space<vmem>>
        %dma_start3A_60 = arith.constant 0 : i32
        %dma_start3A_61 = arith.constant 0 : i32
        %dma_start3A_62 = tpu.memref_slice %arg6[%add3A_33, %dma_start3A_60, %dma_start3A_61] : memref<16384x20x64xf32, #tpu.memory_space<hbm>> -> memref<1x20x64xf32, #tpu.memory_space<hbm>>
        %dma_start3A_63 = tpu.memref_squeeze %dma_start3A_62 : memref<1x20x64xf32, #tpu.memory_space<hbm>> -> memref<20x64xf32, #tpu.memory_space<hbm>>
        %dma_start3A_64 = arith.constant 0 : i32
        %dma_start3A_65 = arith.constant 0 : i32
        %dma_start3A_66 = tpu.memref_slice %arg6[%add3A_33, %dma_start3A_64, %dma_start3A_65] : memref<16384x20x64xf32, #tpu.memory_space<hbm>> -> memref<1x20x64xf32, #tpu.memory_space<hbm>>
        %dma_start3A_67 = tpu.memref_squeeze %dma_start3A_66 : memref<1x20x64xf32, #tpu.memory_space<hbm>> -> memref<20x64xf32, #tpu.memory_space<hbm>>
        %dma_start3A_68 = arith.constant 0 : i32
        %dma_start3A_69 = arith.constant 0 : i32
        %dma_start3A_70 = tpu.memref_slice %arg10[%dma_start3A_68, %dma_start3A_69] : memref<80x64xf32, #tpu.memory_space<vmem>> -> memref<20x64xf32, #tpu.memory_space<vmem>>
        tpu.enqueue_dma source(%dma_start3A_70 : memref<20x64xf32, #tpu.memory_space<vmem>>) target(%dma_start3A_67 : memref<20x64xf32, #tpu.memory_space<hbm>>) target_semaphore(%run_scoped3A : memref<!tpu.dma_semaphore, #tpu.memory_space<semaphore_mem>>)
        %dma_wait3A_71 = arith.constant 0 : i32
        %dma_wait3A_72 = arith.constant 0 : i32
        %dma_wait3A_73 = tpu.memref_slice %arg10[%dma_wait3A_71, %dma_wait3A_72] : memref<80x64xf32, #tpu.memory_space<vmem>> -> memref<20x64xf32, #tpu.memory_space<vmem>>
        %dma_wait3A_74 = arith.constant 0 : i32
        %dma_wait3A_75 = arith.constant 0 : i32
        %dma_wait3A_76 = tpu.memref_slice %arg6[%add3A_33, %dma_wait3A_74, %dma_wait3A_75] : memref<16384x20x64xf32, #tpu.memory_space<hbm>> -> memref<1x20x64xf32, #tpu.memory_space<hbm>>
        %dma_wait3A_77 = tpu.memref_squeeze %dma_wait3A_76 : memref<1x20x64xf32, #tpu.memory_space<hbm>> -> memref<20x64xf32, #tpu.memory_space<hbm>>
        %dma_wait3A_78 = arith.constant 0 : i32
        %dma_wait3A_79 = arith.constant 0 : i32
        %dma_wait3A_80 = tpu.memref_slice %arg6[%add3A_33, %dma_wait3A_78, %dma_wait3A_79] : memref<16384x20x64xf32, #tpu.memory_space<hbm>> -> memref<1x20x64xf32, #tpu.memory_space<hbm>>
        %dma_wait3A_81 = tpu.memref_squeeze %dma_wait3A_80 : memref<1x20x64xf32, #tpu.memory_space<hbm>> -> memref<20x64xf32, #tpu.memory_space<hbm>>
        %dma_wait3A_82 = arith.constant 0 : i32
        %dma_wait3A_83 = arith.constant 0 : i32
        %dma_wait3A_84 = tpu.memref_slice %arg10[%dma_wait3A_82, %dma_wait3A_83] : memref<80x64xf32, #tpu.memory_space<vmem>> -> memref<20x64xf32, #tpu.memory_space<vmem>>
        tpu.wait_dma2 semaphore(%run_scoped3A : memref<!tpu.dma_semaphore, #tpu.memory_space<semaphore_mem>>) src(%dma_wait3A_84 : memref<20x64xf32, #tpu.memory_space<vmem>>) dst(%dma_wait3A_81 : memref<20x64xf32, #tpu.memory_space<hbm>>)
        tpu.yield
      }) : () -> ()
      %add3A_34 = arith.constant 0 : i32
      %add3A_35 = arith.addi %add3A_13, %add3A_34 : i32
      "tpu.region"() ({
        %run_scoped3A = tpu.sem_alloc : memref<!tpu.dma_semaphore, #tpu.memory_space<semaphore_mem>>
        %dma_start3A_57 = arith.constant 0 : i32
        %dma_start3A_58 = arith.constant 0 : i32
        %dma_start3A_59 = tpu.memref_slice %arg11[%dma_start3A_57, %dma_start3A_58] : memref<80x64xf32, #tpu.memory_space<vmem>> -> memref<20x64xf32, #tpu.memory_space<vmem>>
        %dma_start3A_60 = arith.constant 0 : i32
        %dma_start3A_61 = arith.constant 0 : i32
        %dma_start3A_62 = tpu.memref_slice %arg7[%add3A_35, %dma_start3A_60, %dma_start3A_61] : memref<16384x20x64xf32, #tpu.memory_space<hbm>> -> memref<1x20x64xf32, #tpu.memory_space<hbm>>
        %dma_start3A_63 = tpu.memref_squeeze %dma_start3A_62 : memref<1x20x64xf32, #tpu.memory_space<hbm>> -> memref<20x64xf32, #tpu.memory_space<hbm>>
        %dma_start3A_64 = arith.constant 0 : i32
        %dma_start3A_65 = arith.constant 0 : i32
        %dma_start3A_66 = tpu.memref_slice %arg7[%add3A_35, %dma_start3A_64, %dma_start3A_65] : memref<16384x20x64xf32, #tpu.memory_space<hbm>> -> memref<1x20x64xf32, #tpu.memory_space<hbm>>
        %dma_start3A_67 = tpu.memref_squeeze %dma_start3A_66 : memref<1x20x64xf32, #tpu.memory_space<hbm>> -> memref<20x64xf32, #tpu.memory_space<hbm>>
        %dma_start3A_68 = arith.constant 0 : i32
        %dma_start3A_69 = arith.constant 0 : i32
        %dma_start3A_70 = tpu.memref_slice %arg11[%dma_start3A_68, %dma_start3A_69] : memref<80x64xf32, #tpu.memory_space<vmem>> -> memref<20x64xf32, #tpu.memory_space<vmem>>
        tpu.enqueue_dma source(%dma_start3A_70 : memref<20x64xf32, #tpu.memory_space<vmem>>) target(%dma_start3A_67 : memref<20x64xf32, #tpu.memory_space<hbm>>) target_semaphore(%run_scoped3A : memref<!tpu.dma_semaphore, #tpu.memory_space<semaphore_mem>>)
        %dma_wait3A_71 = arith.constant 0 : i32
        %dma_wait3A_72 = arith.constant 0 : i32
        %dma_wait3A_73 = tpu.memref_slice %arg11[%dma_wait3A_71, %dma_wait3A_72] : memref<80x64xf32, #tpu.memory_space<vmem>> -> memref<20x64xf32, #tpu.memory_space<vmem>>
        %dma_wait3A_74 = arith.constant 0 : i32
        %dma_wait3A_75 = arith.constant 0 : i32
        %dma_wait3A_76 = tpu.memref_slice %arg7[%add3A_35, %dma_wait3A_74, %dma_wait3A_75] : memref<16384x20x64xf32, #tpu.memory_space<hbm>> -> memref<1x20x64xf32, #tpu.memory_space<hbm>>
        %dma_wait3A_77 = tpu.memref_squeeze %dma_wait3A_76 : memref<1x20x64xf32, #tpu.memory_space<hbm>> -> memref<20x64xf32, #tpu.memory_space<hbm>>
        %dma_wait3A_78 = arith.constant 0 : i32
        %dma_wait3A_79 = arith.constant 0 : i32
        %dma_wait3A_80 = tpu.memref_slice %arg7[%add3A_35, %dma_wait3A_78, %dma_wait3A_79] : memref<16384x20x64xf32, #tpu.memory_space<hbm>> -> memref<1x20x64xf32, #tpu.memory_space<hbm>>
        %dma_wait3A_81 = tpu.memref_squeeze %dma_wait3A_80 : memref<1x20x64xf32, #tpu.memory_space<hbm>> -> memref<20x64xf32, #tpu.memory_space<hbm>>
        %dma_wait3A_82 = arith.constant 0 : i32
        %dma_wait3A_83 = arith.constant 0 : i32
        %dma_wait3A_84 = tpu.memref_slice %arg11[%dma_wait3A_82, %dma_wait3A_83] : memref<80x64xf32, #tpu.memory_space<vmem>> -> memref<20x64xf32, #tpu.memory_space<vmem>>
        tpu.wait_dma2 semaphore(%run_scoped3A : memref<!tpu.dma_semaphore, #tpu.memory_space<semaphore_mem>>) src(%dma_wait3A_84 : memref<20x64xf32, #tpu.memory_space<vmem>>) dst(%dma_wait3A_81 : memref<20x64xf32, #tpu.memory_space<hbm>>)
        tpu.yield
      }) : () -> ()
      %add3A_36 = arith.constant 0 : i32
      %add3A_37 = arith.addi %add3A_13, %add3A_36 : i32
      "tpu.region"() ({
        %run_scoped3A = tpu.sem_alloc : memref<!tpu.dma_semaphore, #tpu.memory_space<semaphore_mem>>
        %dma_start3A_57 = arith.constant 0 : i32
        %dma_start3A_58 = arith.constant 0 : i32
        %dma_start3A_59 = tpu.memref_slice %arg12[%dma_start3A_57, %dma_start3A_58] : memref<80x64xf32, #tpu.memory_space<vmem>> -> memref<20x64xf32, #tpu.memory_space<vmem>>
        %dma_start3A_60 = arith.constant 0 : i32
        %dma_start3A_61 = arith.constant 0 : i32
        %dma_start3A_62 = tpu.memref_slice %arg8[%add3A_37, %dma_start3A_60, %dma_start3A_61] : memref<16384x20x64xf32, #tpu.memory_space<hbm>> -> memref<1x20x64xf32, #tpu.memory_space<hbm>>
        %dma_start3A_63 = tpu.memref_squeeze %dma_start3A_62 : memref<1x20x64xf32, #tpu.memory_space<hbm>> -> memref<20x64xf32, #tpu.memory_space<hbm>>
        %dma_start3A_64 = arith.constant 0 : i32
        %dma_start3A_65 = arith.constant 0 : i32
        %dma_start3A_66 = tpu.memref_slice %arg8[%add3A_37, %dma_start3A_64, %dma_start3A_65] : memref<16384x20x64xf32, #tpu.memory_space<hbm>> -> memref<1x20x64xf32, #tpu.memory_space<hbm>>
        %dma_start3A_67 = tpu.memref_squeeze %dma_start3A_66 : memref<1x20x64xf32, #tpu.memory_space<hbm>> -> memref<20x64xf32, #tpu.memory_space<hbm>>
        %dma_start3A_68 = arith.constant 0 : i32
        %dma_start3A_69 = arith.constant 0 : i32
        %dma_start3A_70 = tpu.memref_slice %arg12[%dma_start3A_68, %dma_start3A_69] : memref<80x64xf32, #tpu.memory_space<vmem>> -> memref<20x64xf32, #tpu.memory_space<vmem>>
        tpu.enqueue_dma source(%dma_start3A_70 : memref<20x64xf32, #tpu.memory_space<vmem>>) target(%dma_start3A_67 : memref<20x64xf32, #tpu.memory_space<hbm>>) target_semaphore(%run_scoped3A : memref<!tpu.dma_semaphore, #tpu.memory_space<semaphore_mem>>)
        %dma_wait3A_71 = arith.constant 0 : i32
        %dma_wait3A_72 = arith.constant 0 : i32
        %dma_wait3A_73 = tpu.memref_slice %arg12[%dma_wait3A_71, %dma_wait3A_72] : memref<80x64xf32, #tpu.memory_space<vmem>> -> memref<20x64xf32, #tpu.memory_space<vmem>>
        %dma_wait3A_74 = arith.constant 0 : i32
        %dma_wait3A_75 = arith.constant 0 : i32
        %dma_wait3A_76 = tpu.memref_slice %arg8[%add3A_37, %dma_wait3A_74, %dma_wait3A_75] : memref<16384x20x64xf32, #tpu.memory_space<hbm>> -> memref<1x20x64xf32, #tpu.memory_space<hbm>>
        %dma_wait3A_77 = tpu.memref_squeeze %dma_wait3A_76 : memref<1x20x64xf32, #tpu.memory_space<hbm>> -> memref<20x64xf32, #tpu.memory_space<hbm>>
        %dma_wait3A_78 = arith.constant 0 : i32
        %dma_wait3A_79 = arith.constant 0 : i32
        %dma_wait3A_80 = tpu.memref_slice %arg8[%add3A_37, %dma_wait3A_78, %dma_wait3A_79] : memref<16384x20x64xf32, #tpu.memory_space<hbm>> -> memref<1x20x64xf32, #tpu.memory_space<hbm>>
        %dma_wait3A_81 = tpu.memref_squeeze %dma_wait3A_80 : memref<1x20x64xf32, #tpu.memory_space<hbm>> -> memref<20x64xf32, #tpu.memory_space<hbm>>
        %dma_wait3A_82 = arith.constant 0 : i32
        %dma_wait3A_83 = arith.constant 0 : i32
        %dma_wait3A_84 = tpu.memref_slice %arg12[%dma_wait3A_82, %dma_wait3A_83] : memref<80x64xf32, #tpu.memory_space<vmem>> -> memref<20x64xf32, #tpu.memory_space<vmem>>
        tpu.wait_dma2 semaphore(%run_scoped3A : memref<!tpu.dma_semaphore, #tpu.memory_space<semaphore_mem>>) src(%dma_wait3A_84 : memref<20x64xf32, #tpu.memory_space<vmem>>) dst(%dma_wait3A_81 : memref<20x64xf32, #tpu.memory_space<hbm>>)
        tpu.yield
      }) : () -> ()
      %add3A_38 = arith.constant 1 : i32
      %add3A_39 = arith.addi %add3A_13, %add3A_38 : i32
      "tpu.region"() ({
        %run_scoped3A = tpu.sem_alloc : memref<!tpu.dma_semaphore, #tpu.memory_space<semaphore_mem>>
        %dma_start3A_57 = arith.constant 20 : i32
        %dma_start3A_58 = arith.constant 0 : i32
        %dma_start3A_59 = tpu.memref_slice %arg10[%dma_start3A_57, %dma_start3A_58] : memref<80x64xf32, #tpu.memory_space<vmem>> -> memref<20x64xf32, #tpu.memory_space<vmem>>
        %dma_start3A_60 = arith.constant 0 : i32
        %dma_start3A_61 = arith.constant 0 : i32
        %dma_start3A_62 = tpu.memref_slice %arg6[%add3A_39, %dma_start3A_60, %dma_start3A_61] : memref<16384x20x64xf32, #tpu.memory_space<hbm>> -> memref<1x20x64xf32, #tpu.memory_space<hbm>>
        %dma_start3A_63 = tpu.memref_squeeze %dma_start3A_62 : memref<1x20x64xf32, #tpu.memory_space<hbm>> -> memref<20x64xf32, #tpu.memory_space<hbm>>
        %dma_start3A_64 = arith.constant 0 : i32
        %dma_start3A_65 = arith.constant 0 : i32
        %dma_start3A_66 = tpu.memref_slice %arg6[%add3A_39, %dma_start3A_64, %dma_start3A_65] : memref<16384x20x64xf32, #tpu.memory_space<hbm>> -> memref<1x20x64xf32, #tpu.memory_space<hbm>>
        %dma_start3A_67 = tpu.memref_squeeze %dma_start3A_66 : memref<1x20x64xf32, #tpu.memory_space<hbm>> -> memref<20x64xf32, #tpu.memory_space<hbm>>
        %dma_start3A_68 = arith.constant 20 : i32
        %dma_start3A_69 = arith.constant 0 : i32
        %dma_start3A_70 = tpu.memref_slice %arg10[%dma_start3A_68, %dma_start3A_69] : memref<80x64xf32, #tpu.memory_space<vmem>> -> memref<20x64xf32, #tpu.memory_space<vmem>>
        tpu.enqueue_dma source(%dma_start3A_70 : memref<20x64xf32, #tpu.memory_space<vmem>>) target(%dma_start3A_67 : memref<20x64xf32, #tpu.memory_space<hbm>>) target_semaphore(%run_scoped3A : memref<!tpu.dma_semaphore, #tpu.memory_space<semaphore_mem>>)
        %dma_wait3A_71 = arith.constant 20 : i32
        %dma_wait3A_72 = arith.constant 0 : i32
        %dma_wait3A_73 = tpu.memref_slice %arg10[%dma_wait3A_71, %dma_wait3A_72] : memref<80x64xf32, #tpu.memory_space<vmem>> -> memref<20x64xf32, #tpu.memory_space<vmem>>
        %dma_wait3A_74 = arith.constant 0 : i32
        %dma_wait3A_75 = arith.constant 0 : i32
        %dma_wait3A_76 = tpu.memref_slice %arg6[%add3A_39, %dma_wait3A_74, %dma_wait3A_75] : memref<16384x20x64xf32, #tpu.memory_space<hbm>> -> memref<1x20x64xf32, #tpu.memory_space<hbm>>
        %dma_wait3A_77 = tpu.memref_squeeze %dma_wait3A_76 : memref<1x20x64xf32, #tpu.memory_space<hbm>> -> memref<20x64xf32, #tpu.memory_space<hbm>>
        %dma_wait3A_78 = arith.constant 0 : i32
        %dma_wait3A_79 = arith.constant 0 : i32
        %dma_wait3A_80 = tpu.memref_slice %arg6[%add3A_39, %dma_wait3A_78, %dma_wait3A_79] : memref<16384x20x64xf32, #tpu.memory_space<hbm>> -> memref<1x20x64xf32, #tpu.memory_space<hbm>>
        %dma_wait3A_81 = tpu.memref_squeeze %dma_wait3A_80 : memref<1x20x64xf32, #tpu.memory_space<hbm>> -> memref<20x64xf32, #tpu.memory_space<hbm>>
        %dma_wait3A_82 = arith.constant 20 : i32
        %dma_wait3A_83 = arith.constant 0 : i32
        %dma_wait3A_84 = tpu.memref_slice %arg10[%dma_wait3A_82, %dma_wait3A_83] : memref<80x64xf32, #tpu.memory_space<vmem>> -> memref<20x64xf32, #tpu.memory_space<vmem>>
        tpu.wait_dma2 semaphore(%run_scoped3A : memref<!tpu.dma_semaphore, #tpu.memory_space<semaphore_mem>>) src(%dma_wait3A_84 : memref<20x64xf32, #tpu.memory_space<vmem>>) dst(%dma_wait3A_81 : memref<20x64xf32, #tpu.memory_space<hbm>>)
        tpu.yield
      }) : () -> ()
      %add3A_40 = arith.constant 1 : i32
      %add3A_41 = arith.addi %add3A_13, %add3A_40 : i32
      "tpu.region"() ({
        %run_scoped3A = tpu.sem_alloc : memref<!tpu.dma_semaphore, #tpu.memory_space<semaphore_mem>>
        %dma_start3A_57 = arith.constant 20 : i32
        %dma_start3A_58 = arith.constant 0 : i32
        %dma_start3A_59 = tpu.memref_slice %arg11[%dma_start3A_57, %dma_start3A_58] : memref<80x64xf32, #tpu.memory_space<vmem>> -> memref<20x64xf32, #tpu.memory_space<vmem>>
        %dma_start3A_60 = arith.constant 0 : i32
        %dma_start3A_61 = arith.constant 0 : i32
        %dma_start3A_62 = tpu.memref_slice %arg7[%add3A_41, %dma_start3A_60, %dma_start3A_61] : memref<16384x20x64xf32, #tpu.memory_space<hbm>> -> memref<1x20x64xf32, #tpu.memory_space<hbm>>
        %dma_start3A_63 = tpu.memref_squeeze %dma_start3A_62 : memref<1x20x64xf32, #tpu.memory_space<hbm>> -> memref<20x64xf32, #tpu.memory_space<hbm>>
        %dma_start3A_64 = arith.constant 0 : i32
        %dma_start3A_65 = arith.constant 0 : i32
        %dma_start3A_66 = tpu.memref_slice %arg7[%add3A_41, %dma_start3A_64, %dma_start3A_65] : memref<16384x20x64xf32, #tpu.memory_space<hbm>> -> memref<1x20x64xf32, #tpu.memory_space<hbm>>
        %dma_start3A_67 = tpu.memref_squeeze %dma_start3A_66 : memref<1x20x64xf32, #tpu.memory_space<hbm>> -> memref<20x64xf32, #tpu.memory_space<hbm>>
        %dma_start3A_68 = arith.constant 20 : i32
        %dma_start3A_69 = arith.constant 0 : i32
        %dma_start3A_70 = tpu.memref_slice %arg11[%dma_start3A_68, %dma_start3A_69] : memref<80x64xf32, #tpu.memory_space<vmem>> -> memref<20x64xf32, #tpu.memory_space<vmem>>
        tpu.enqueue_dma source(%dma_start3A_70 : memref<20x64xf32, #tpu.memory_space<vmem>>) target(%dma_start3A_67 : memref<20x64xf32, #tpu.memory_space<hbm>>) target_semaphore(%run_scoped3A : memref<!tpu.dma_semaphore, #tpu.memory_space<semaphore_mem>>)
        %dma_wait3A_71 = arith.constant 20 : i32
        %dma_wait3A_72 = arith.constant 0 : i32
        %dma_wait3A_73 = tpu.memref_slice %arg11[%dma_wait3A_71, %dma_wait3A_72] : memref<80x64xf32, #tpu.memory_space<vmem>> -> memref<20x64xf32, #tpu.memory_space<vmem>>
        %dma_wait3A_74 = arith.constant 0 : i32
        %dma_wait3A_75 = arith.constant 0 : i32
        %dma_wait3A_76 = tpu.memref_slice %arg7[%add3A_41, %dma_wait3A_74, %dma_wait3A_75] : memref<16384x20x64xf32, #tpu.memory_space<hbm>> -> memref<1x20x64xf32, #tpu.memory_space<hbm>>
        %dma_wait3A_77 = tpu.memref_squeeze %dma_wait3A_76 : memref<1x20x64xf32, #tpu.memory_space<hbm>> -> memref<20x64xf32, #tpu.memory_space<hbm>>
        %dma_wait3A_78 = arith.constant 0 : i32
        %dma_wait3A_79 = arith.constant 0 : i32
        %dma_wait3A_80 = tpu.memref_slice %arg7[%add3A_41, %dma_wait3A_78, %dma_wait3A_79] : memref<16384x20x64xf32, #tpu.memory_space<hbm>> -> memref<1x20x64xf32, #tpu.memory_space<hbm>>
        %dma_wait3A_81 = tpu.memref_squeeze %dma_wait3A_80 : memref<1x20x64xf32, #tpu.memory_space<hbm>> -> memref<20x64xf32, #tpu.memory_space<hbm>>
        %dma_wait3A_82 = arith.constant 20 : i32
        %dma_wait3A_83 = arith.constant 0 : i32
        %dma_wait3A_84 = tpu.memref_slice %arg11[%dma_wait3A_82, %dma_wait3A_83] : memref<80x64xf32, #tpu.memory_space<vmem>> -> memref<20x64xf32, #tpu.memory_space<vmem>>
        tpu.wait_dma2 semaphore(%run_scoped3A : memref<!tpu.dma_semaphore, #tpu.memory_space<semaphore_mem>>) src(%dma_wait3A_84 : memref<20x64xf32, #tpu.memory_space<vmem>>) dst(%dma_wait3A_81 : memref<20x64xf32, #tpu.memory_space<hbm>>)
        tpu.yield
      }) : () -> ()
      %add3A_42 = arith.constant 1 : i32
      %add3A_43 = arith.addi %add3A_13, %add3A_42 : i32
      "tpu.region"() ({
        %run_scoped3A = tpu.sem_alloc : memref<!tpu.dma_semaphore, #tpu.memory_space<semaphore_mem>>
        %dma_start3A_57 = arith.constant 20 : i32
        %dma_start3A_58 = arith.constant 0 : i32
        %dma_start3A_59 = tpu.memref_slice %arg12[%dma_start3A_57, %dma_start3A_58] : memref<80x64xf32, #tpu.memory_space<vmem>> -> memref<20x64xf32, #tpu.memory_space<vmem>>
        %dma_start3A_60 = arith.constant 0 : i32
        %dma_start3A_61 = arith.constant 0 : i32
        %dma_start3A_62 = tpu.memref_slice %arg8[%add3A_43, %dma_start3A_60, %dma_start3A_61] : memref<16384x20x64xf32, #tpu.memory_space<hbm>> -> memref<1x20x64xf32, #tpu.memory_space<hbm>>
        %dma_start3A_63 = tpu.memref_squeeze %dma_start3A_62 : memref<1x20x64xf32, #tpu.memory_space<hbm>> -> memref<20x64xf32, #tpu.memory_space<hbm>>
        %dma_start3A_64 = arith.constant 0 : i32
        %dma_start3A_65 = arith.constant 0 : i32
        %dma_start3A_66 = tpu.memref_slice %arg8[%add3A_43, %dma_start3A_64, %dma_start3A_65] : memref<16384x20x64xf32, #tpu.memory_space<hbm>> -> memref<1x20x64xf32, #tpu.memory_space<hbm>>
        %dma_start3A_67 = tpu.memref_squeeze %dma_start3A_66 : memref<1x20x64xf32, #tpu.memory_space<hbm>> -> memref<20x64xf32, #tpu.memory_space<hbm>>
        %dma_start3A_68 = arith.constant 20 : i32
        %dma_start3A_69 = arith.constant 0 : i32
        %dma_start3A_70 = tpu.memref_slice %arg12[%dma_start3A_68, %dma_start3A_69] : memref<80x64xf32, #tpu.memory_space<vmem>> -> memref<20x64xf32, #tpu.memory_space<vmem>>
        tpu.enqueue_dma source(%dma_start3A_70 : memref<20x64xf32, #tpu.memory_space<vmem>>) target(%dma_start3A_67 : memref<20x64xf32, #tpu.memory_space<hbm>>) target_semaphore(%run_scoped3A : memref<!tpu.dma_semaphore, #tpu.memory_space<semaphore_mem>>)
        %dma_wait3A_71 = arith.constant 20 : i32
        %dma_wait3A_72 = arith.constant 0 : i32
        %dma_wait3A_73 = tpu.memref_slice %arg12[%dma_wait3A_71, %dma_wait3A_72] : memref<80x64xf32, #tpu.memory_space<vmem>> -> memref<20x64xf32, #tpu.memory_space<vmem>>
        %dma_wait3A_74 = arith.constant 0 : i32
        %dma_wait3A_75 = arith.constant 0 : i32
        %dma_wait3A_76 = tpu.memref_slice %arg8[%add3A_43, %dma_wait3A_74, %dma_wait3A_75] : memref<16384x20x64xf32, #tpu.memory_space<hbm>> -> memref<1x20x64xf32, #tpu.memory_space<hbm>>
        %dma_wait3A_77 = tpu.memref_squeeze %dma_wait3A_76 : memref<1x20x64xf32, #tpu.memory_space<hbm>> -> memref<20x64xf32, #tpu.memory_space<hbm>>
        %dma_wait3A_78 = arith.constant 0 : i32
        %dma_wait3A_79 = arith.constant 0 : i32
        %dma_wait3A_80 = tpu.memref_slice %arg8[%add3A_43, %dma_wait3A_78, %dma_wait3A_79] : memref<16384x20x64xf32, #tpu.memory_space<hbm>> -> memref<1x20x64xf32, #tpu.memory_space<hbm>>
        %dma_wait3A_81 = tpu.memref_squeeze %dma_wait3A_80 : memref<1x20x64xf32, #tpu.memory_space<hbm>> -> memref<20x64xf32, #tpu.memory_space<hbm>>
        %dma_wait3A_82 = arith.constant 20 : i32
        %dma_wait3A_83 = arith.constant 0 : i32
        %dma_wait3A_84 = tpu.memref_slice %arg12[%dma_wait3A_82, %dma_wait3A_83] : memref<80x64xf32, #tpu.memory_space<vmem>> -> memref<20x64xf32, #tpu.memory_space<vmem>>
        tpu.wait_dma2 semaphore(%run_scoped3A : memref<!tpu.dma_semaphore, #tpu.memory_space<semaphore_mem>>) src(%dma_wait3A_84 : memref<20x64xf32, #tpu.memory_space<vmem>>) dst(%dma_wait3A_81 : memref<20x64xf32, #tpu.memory_space<hbm>>)
        tpu.yield
      }) : () -> ()
      %add3A_44 = arith.constant 2 : i32
      %add3A_45 = arith.addi %add3A_13, %add3A_44 : i32
      "tpu.region"() ({
        %run_scoped3A = tpu.sem_alloc : memref<!tpu.dma_semaphore, #tpu.memory_space<semaphore_mem>>
        %dma_start3A_57 = arith.constant 40 : i32
        %dma_start3A_58 = arith.constant 0 : i32
        %dma_start3A_59 = tpu.memref_slice %arg10[%dma_start3A_57, %dma_start3A_58] : memref<80x64xf32, #tpu.memory_space<vmem>> -> memref<20x64xf32, #tpu.memory_space<vmem>>
        %dma_start3A_60 = arith.constant 0 : i32
        %dma_start3A_61 = arith.constant 0 : i32
        %dma_start3A_62 = tpu.memref_slice %arg6[%add3A_45, %dma_start3A_60, %dma_start3A_61] : memref<16384x20x64xf32, #tpu.memory_space<hbm>> -> memref<1x20x64xf32, #tpu.memory_space<hbm>>
        %dma_start3A_63 = tpu.memref_squeeze %dma_start3A_62 : memref<1x20x64xf32, #tpu.memory_space<hbm>> -> memref<20x64xf32, #tpu.memory_space<hbm>>
        %dma_start3A_64 = arith.constant 0 : i32
        %dma_start3A_65 = arith.constant 0 : i32
        %dma_start3A_66 = tpu.memref_slice %arg6[%add3A_45, %dma_start3A_64, %dma_start3A_65] : memref<16384x20x64xf32, #tpu.memory_space<hbm>> -> memref<1x20x64xf32, #tpu.memory_space<hbm>>
        %dma_start3A_67 = tpu.memref_squeeze %dma_start3A_66 : memref<1x20x64xf32, #tpu.memory_space<hbm>> -> memref<20x64xf32, #tpu.memory_space<hbm>>
        %dma_start3A_68 = arith.constant 40 : i32
        %dma_start3A_69 = arith.constant 0 : i32
        %dma_start3A_70 = tpu.memref_slice %arg10[%dma_start3A_68, %dma_start3A_69] : memref<80x64xf32, #tpu.memory_space<vmem>> -> memref<20x64xf32, #tpu.memory_space<vmem>>
        tpu.enqueue_dma source(%dma_start3A_70 : memref<20x64xf32, #tpu.memory_space<vmem>>) target(%dma_start3A_67 : memref<20x64xf32, #tpu.memory_space<hbm>>) target_semaphore(%run_scoped3A : memref<!tpu.dma_semaphore, #tpu.memory_space<semaphore_mem>>)
        %dma_wait3A_71 = arith.constant 40 : i32
        %dma_wait3A_72 = arith.constant 0 : i32
        %dma_wait3A_73 = tpu.memref_slice %arg10[%dma_wait3A_71, %dma_wait3A_72] : memref<80x64xf32, #tpu.memory_space<vmem>> -> memref<20x64xf32, #tpu.memory_space<vmem>>
        %dma_wait3A_74 = arith.constant 0 : i32
        %dma_wait3A_75 = arith.constant 0 : i32
        %dma_wait3A_76 = tpu.memref_slice %arg6[%add3A_45, %dma_wait3A_74, %dma_wait3A_75] : memref<16384x20x64xf32, #tpu.memory_space<hbm>> -> memref<1x20x64xf32, #tpu.memory_space<hbm>>
        %dma_wait3A_77 = tpu.memref_squeeze %dma_wait3A_76 : memref<1x20x64xf32, #tpu.memory_space<hbm>> -> memref<20x64xf32, #tpu.memory_space<hbm>>
        %dma_wait3A_78 = arith.constant 0 : i32
        %dma_wait3A_79 = arith.constant 0 : i32
        %dma_wait3A_80 = tpu.memref_slice %arg6[%add3A_45, %dma_wait3A_78, %dma_wait3A_79] : memref<16384x20x64xf32, #tpu.memory_space<hbm>> -> memref<1x20x64xf32, #tpu.memory_space<hbm>>
        %dma_wait3A_81 = tpu.memref_squeeze %dma_wait3A_80 : memref<1x20x64xf32, #tpu.memory_space<hbm>> -> memref<20x64xf32, #tpu.memory_space<hbm>>
        %dma_wait3A_82 = arith.constant 40 : i32
        %dma_wait3A_83 = arith.constant 0 : i32
        %dma_wait3A_84 = tpu.memref_slice %arg10[%dma_wait3A_82, %dma_wait3A_83] : memref<80x64xf32, #tpu.memory_space<vmem>> -> memref<20x64xf32, #tpu.memory_space<vmem>>
        tpu.wait_dma2 semaphore(%run_scoped3A : memref<!tpu.dma_semaphore, #tpu.memory_space<semaphore_mem>>) src(%dma_wait3A_84 : memref<20x64xf32, #tpu.memory_space<vmem>>) dst(%dma_wait3A_81 : memref<20x64xf32, #tpu.memory_space<hbm>>)
        tpu.yield
      }) : () -> ()
      %add3A_46 = arith.constant 2 : i32
      %add3A_47 = arith.addi %add3A_13, %add3A_46 : i32
      "tpu.region"() ({
        %run_scoped3A = tpu.sem_alloc : memref<!tpu.dma_semaphore, #tpu.memory_space<semaphore_mem>>
        %dma_start3A_57 = arith.constant 40 : i32
        %dma_start3A_58 = arith.constant 0 : i32
        %dma_start3A_59 = tpu.memref_slice %arg11[%dma_start3A_57, %dma_start3A_58] : memref<80x64xf32, #tpu.memory_space<vmem>> -> memref<20x64xf32, #tpu.memory_space<vmem>>
        %dma_start3A_60 = arith.constant 0 : i32
        %dma_start3A_61 = arith.constant 0 : i32
        %dma_start3A_62 = tpu.memref_slice %arg7[%add3A_47, %dma_start3A_60, %dma_start3A_61] : memref<16384x20x64xf32, #tpu.memory_space<hbm>> -> memref<1x20x64xf32, #tpu.memory_space<hbm>>
        %dma_start3A_63 = tpu.memref_squeeze %dma_start3A_62 : memref<1x20x64xf32, #tpu.memory_space<hbm>> -> memref<20x64xf32, #tpu.memory_space<hbm>>
        %dma_start3A_64 = arith.constant 0 : i32
        %dma_start3A_65 = arith.constant 0 : i32
        %dma_start3A_66 = tpu.memref_slice %arg7[%add3A_47, %dma_start3A_64, %dma_start3A_65] : memref<16384x20x64xf32, #tpu.memory_space<hbm>> -> memref<1x20x64xf32, #tpu.memory_space<hbm>>
        %dma_start3A_67 = tpu.memref_squeeze %dma_start3A_66 : memref<1x20x64xf32, #tpu.memory_space<hbm>> -> memref<20x64xf32, #tpu.memory_space<hbm>>
        %dma_start3A_68 = arith.constant 40 : i32
        %dma_start3A_69 = arith.constant 0 : i32
        %dma_start3A_70 = tpu.memref_slice %arg11[%dma_start3A_68, %dma_start3A_69] : memref<80x64xf32, #tpu.memory_space<vmem>> -> memref<20x64xf32, #tpu.memory_space<vmem>>
        tpu.enqueue_dma source(%dma_start3A_70 : memref<20x64xf32, #tpu.memory_space<vmem>>) target(%dma_start3A_67 : memref<20x64xf32, #tpu.memory_space<hbm>>) target_semaphore(%run_scoped3A : memref<!tpu.dma_semaphore, #tpu.memory_space<semaphore_mem>>)
        %dma_wait3A_71 = arith.constant 40 : i32
        %dma_wait3A_72 = arith.constant 0 : i32
        %dma_wait3A_73 = tpu.memref_slice %arg11[%dma_wait3A_71, %dma_wait3A_72] : memref<80x64xf32, #tpu.memory_space<vmem>> -> memref<20x64xf32, #tpu.memory_space<vmem>>
        %dma_wait3A_74 = arith.constant 0 : i32
        %dma_wait3A_75 = arith.constant 0 : i32
        %dma_wait3A_76 = tpu.memref_slice %arg7[%add3A_47, %dma_wait3A_74, %dma_wait3A_75] : memref<16384x20x64xf32, #tpu.memory_space<hbm>> -> memref<1x20x64xf32, #tpu.memory_space<hbm>>
        %dma_wait3A_77 = tpu.memref_squeeze %dma_wait3A_76 : memref<1x20x64xf32, #tpu.memory_space<hbm>> -> memref<20x64xf32, #tpu.memory_space<hbm>>
        %dma_wait3A_78 = arith.constant 0 : i32
        %dma_wait3A_79 = arith.constant 0 : i32
        %dma_wait3A_80 = tpu.memref_slice %arg7[%add3A_47, %dma_wait3A_78, %dma_wait3A_79] : memref<16384x20x64xf32, #tpu.memory_space<hbm>> -> memref<1x20x64xf32, #tpu.memory_space<hbm>>
        %dma_wait3A_81 = tpu.memref_squeeze %dma_wait3A_80 : memref<1x20x64xf32, #tpu.memory_space<hbm>> -> memref<20x64xf32, #tpu.memory_space<hbm>>
        %dma_wait3A_82 = arith.constant 40 : i32
        %dma_wait3A_83 = arith.constant 0 : i32
        %dma_wait3A_84 = tpu.memref_slice %arg11[%dma_wait3A_82, %dma_wait3A_83] : memref<80x64xf32, #tpu.memory_space<vmem>> -> memref<20x64xf32, #tpu.memory_space<vmem>>
        tpu.wait_dma2 semaphore(%run_scoped3A : memref<!tpu.dma_semaphore, #tpu.memory_space<semaphore_mem>>) src(%dma_wait3A_84 : memref<20x64xf32, #tpu.memory_space<vmem>>) dst(%dma_wait3A_81 : memref<20x64xf32, #tpu.memory_space<hbm>>)
        tpu.yield
      }) : () -> ()
      %add3A_48 = arith.constant 2 : i32
      %add3A_49 = arith.addi %add3A_13, %add3A_48 : i32
      "tpu.region"() ({
        %run_scoped3A = tpu.sem_alloc : memref<!tpu.dma_semaphore, #tpu.memory_space<semaphore_mem>>
        %dma_start3A_57 = arith.constant 40 : i32
        %dma_start3A_58 = arith.constant 0 : i32
        %dma_start3A_59 = tpu.memref_slice %arg12[%dma_start3A_57, %dma_start3A_58] : memref<80x64xf32, #tpu.memory_space<vmem>> -> memref<20x64xf32, #tpu.memory_space<vmem>>
        %dma_start3A_60 = arith.constant 0 : i32
        %dma_start3A_61 = arith.constant 0 : i32
        %dma_start3A_62 = tpu.memref_slice %arg8[%add3A_49, %dma_start3A_60, %dma_start3A_61] : memref<16384x20x64xf32, #tpu.memory_space<hbm>> -> memref<1x20x64xf32, #tpu.memory_space<hbm>>
        %dma_start3A_63 = tpu.memref_squeeze %dma_start3A_62 : memref<1x20x64xf32, #tpu.memory_space<hbm>> -> memref<20x64xf32, #tpu.memory_space<hbm>>
        %dma_start3A_64 = arith.constant 0 : i32
        %dma_start3A_65 = arith.constant 0 : i32
        %dma_start3A_66 = tpu.memref_slice %arg8[%add3A_49, %dma_start3A_64, %dma_start3A_65] : memref<16384x20x64xf32, #tpu.memory_space<hbm>> -> memref<1x20x64xf32, #tpu.memory_space<hbm>>
        %dma_start3A_67 = tpu.memref_squeeze %dma_start3A_66 : memref<1x20x64xf32, #tpu.memory_space<hbm>> -> memref<20x64xf32, #tpu.memory_space<hbm>>
        %dma_start3A_68 = arith.constant 40 : i32
        %dma_start3A_69 = arith.constant 0 : i32
        %dma_start3A_70 = tpu.memref_slice %arg12[%dma_start3A_68, %dma_start3A_69] : memref<80x64xf32, #tpu.memory_space<vmem>> -> memref<20x64xf32, #tpu.memory_space<vmem>>
        tpu.enqueue_dma source(%dma_start3A_70 : memref<20x64xf32, #tpu.memory_space<vmem>>) target(%dma_start3A_67 : memref<20x64xf32, #tpu.memory_space<hbm>>) target_semaphore(%run_scoped3A : memref<!tpu.dma_semaphore, #tpu.memory_space<semaphore_mem>>)
        %dma_wait3A_71 = arith.constant 40 : i32
        %dma_wait3A_72 = arith.constant 0 : i32
        %dma_wait3A_73 = tpu.memref_slice %arg12[%dma_wait3A_71, %dma_wait3A_72] : memref<80x64xf32, #tpu.memory_space<vmem>> -> memref<20x64xf32, #tpu.memory_space<vmem>>
        %dma_wait3A_74 = arith.constant 0 : i32
        %dma_wait3A_75 = arith.constant 0 : i32
        %dma_wait3A_76 = tpu.memref_slice %arg8[%add3A_49, %dma_wait3A_74, %dma_wait3A_75] : memref<16384x20x64xf32, #tpu.memory_space<hbm>> -> memref<1x20x64xf32, #tpu.memory_space<hbm>>
        %dma_wait3A_77 = tpu.memref_squeeze %dma_wait3A_76 : memref<1x20x64xf32, #tpu.memory_space<hbm>> -> memref<20x64xf32, #tpu.memory_space<hbm>>
        %dma_wait3A_78 = arith.constant 0 : i32
        %dma_wait3A_79 = arith.constant 0 : i32
        %dma_wait3A_80 = tpu.memref_slice %arg8[%add3A_49, %dma_wait3A_78, %dma_wait3A_79] : memref<16384x20x64xf32, #tpu.memory_space<hbm>> -> memref<1x20x64xf32, #tpu.memory_space<hbm>>
        %dma_wait3A_81 = tpu.memref_squeeze %dma_wait3A_80 : memref<1x20x64xf32, #tpu.memory_space<hbm>> -> memref<20x64xf32, #tpu.memory_space<hbm>>
        %dma_wait3A_82 = arith.constant 40 : i32
        %dma_wait3A_83 = arith.constant 0 : i32
        %dma_wait3A_84 = tpu.memref_slice %arg12[%dma_wait3A_82, %dma_wait3A_83] : memref<80x64xf32, #tpu.memory_space<vmem>> -> memref<20x64xf32, #tpu.memory_space<vmem>>
        tpu.wait_dma2 semaphore(%run_scoped3A : memref<!tpu.dma_semaphore, #tpu.memory_space<semaphore_mem>>) src(%dma_wait3A_84 : memref<20x64xf32, #tpu.memory_space<vmem>>) dst(%dma_wait3A_81 : memref<20x64xf32, #tpu.memory_space<hbm>>)
        tpu.yield
      }) : () -> ()
      %add3A_50 = arith.constant 3 : i32
      %add3A_51 = arith.addi %add3A_13, %add3A_50 : i32
      "tpu.region"() ({
        %run_scoped3A = tpu.sem_alloc : memref<!tpu.dma_semaphore, #tpu.memory_space<semaphore_mem>>
        %dma_start3A_57 = arith.constant 60 : i32
        %dma_start3A_58 = arith.constant 0 : i32
        %dma_start3A_59 = tpu.memref_slice %arg10[%dma_start3A_57, %dma_start3A_58] : memref<80x64xf32, #tpu.memory_space<vmem>> -> memref<20x64xf32, #tpu.memory_space<vmem>>
        %dma_start3A_60 = arith.constant 0 : i32
        %dma_start3A_61 = arith.constant 0 : i32
        %dma_start3A_62 = tpu.memref_slice %arg6[%add3A_51, %dma_start3A_60, %dma_start3A_61] : memref<16384x20x64xf32, #tpu.memory_space<hbm>> -> memref<1x20x64xf32, #tpu.memory_space<hbm>>
        %dma_start3A_63 = tpu.memref_squeeze %dma_start3A_62 : memref<1x20x64xf32, #tpu.memory_space<hbm>> -> memref<20x64xf32, #tpu.memory_space<hbm>>
        %dma_start3A_64 = arith.constant 0 : i32
        %dma_start3A_65 = arith.constant 0 : i32
        %dma_start3A_66 = tpu.memref_slice %arg6[%add3A_51, %dma_start3A_64, %dma_start3A_65] : memref<16384x20x64xf32, #tpu.memory_space<hbm>> -> memref<1x20x64xf32, #tpu.memory_space<hbm>>
        %dma_start3A_67 = tpu.memref_squeeze %dma_start3A_66 : memref<1x20x64xf32, #tpu.memory_space<hbm>> -> memref<20x64xf32, #tpu.memory_space<hbm>>
        %dma_start3A_68 = arith.constant 60 : i32
        %dma_start3A_69 = arith.constant 0 : i32
        %dma_start3A_70 = tpu.memref_slice %arg10[%dma_start3A_68, %dma_start3A_69] : memref<80x64xf32, #tpu.memory_space<vmem>> -> memref<20x64xf32, #tpu.memory_space<vmem>>
        tpu.enqueue_dma source(%dma_start3A_70 : memref<20x64xf32, #tpu.memory_space<vmem>>) target(%dma_start3A_67 : memref<20x64xf32, #tpu.memory_space<hbm>>) target_semaphore(%run_scoped3A : memref<!tpu.dma_semaphore, #tpu.memory_space<semaphore_mem>>)
        %dma_wait3A_71 = arith.constant 60 : i32
        %dma_wait3A_72 = arith.constant 0 : i32
        %dma_wait3A_73 = tpu.memref_slice %arg10[%dma_wait3A_71, %dma_wait3A_72] : memref<80x64xf32, #tpu.memory_space<vmem>> -> memref<20x64xf32, #tpu.memory_space<vmem>>
        %dma_wait3A_74 = arith.constant 0 : i32
        %dma_wait3A_75 = arith.constant 0 : i32
        %dma_wait3A_76 = tpu.memref_slice %arg6[%add3A_51, %dma_wait3A_74, %dma_wait3A_75] : memref<16384x20x64xf32, #tpu.memory_space<hbm>> -> memref<1x20x64xf32, #tpu.memory_space<hbm>>
        %dma_wait3A_77 = tpu.memref_squeeze %dma_wait3A_76 : memref<1x20x64xf32, #tpu.memory_space<hbm>> -> memref<20x64xf32, #tpu.memory_space<hbm>>
        %dma_wait3A_78 = arith.constant 0 : i32
        %dma_wait3A_79 = arith.constant 0 : i32
        %dma_wait3A_80 = tpu.memref_slice %arg6[%add3A_51, %dma_wait3A_78, %dma_wait3A_79] : memref<16384x20x64xf32, #tpu.memory_space<hbm>> -> memref<1x20x64xf32, #tpu.memory_space<hbm>>
        %dma_wait3A_81 = tpu.memref_squeeze %dma_wait3A_80 : memref<1x20x64xf32, #tpu.memory_space<hbm>> -> memref<20x64xf32, #tpu.memory_space<hbm>>
        %dma_wait3A_82 = arith.constant 60 : i32
        %dma_wait3A_83 = arith.constant 0 : i32
        %dma_wait3A_84 = tpu.memref_slice %arg10[%dma_wait3A_82, %dma_wait3A_83] : memref<80x64xf32, #tpu.memory_space<vmem>> -> memref<20x64xf32, #tpu.memory_space<vmem>>
        tpu.wait_dma2 semaphore(%run_scoped3A : memref<!tpu.dma_semaphore, #tpu.memory_space<semaphore_mem>>) src(%dma_wait3A_84 : memref<20x64xf32, #tpu.memory_space<vmem>>) dst(%dma_wait3A_81 : memref<20x64xf32, #tpu.memory_space<hbm>>)
        tpu.yield
      }) : () -> ()
      %add3A_52 = arith.constant 3 : i32
      %add3A_53 = arith.addi %add3A_13, %add3A_52 : i32
      "tpu.region"() ({
        %run_scoped3A = tpu.sem_alloc : memref<!tpu.dma_semaphore, #tpu.memory_space<semaphore_mem>>
        %dma_start3A_57 = arith.constant 60 : i32
        %dma_start3A_58 = arith.constant 0 : i32
        %dma_start3A_59 = tpu.memref_slice %arg11[%dma_start3A_57, %dma_start3A_58] : memref<80x64xf32, #tpu.memory_space<vmem>> -> memref<20x64xf32, #tpu.memory_space<vmem>>
        %dma_start3A_60 = arith.constant 0 : i32
        %dma_start3A_61 = arith.constant 0 : i32
        %dma_start3A_62 = tpu.memref_slice %arg7[%add3A_53, %dma_start3A_60, %dma_start3A_61] : memref<16384x20x64xf32, #tpu.memory_space<hbm>> -> memref<1x20x64xf32, #tpu.memory_space<hbm>>
        %dma_start3A_63 = tpu.memref_squeeze %dma_start3A_62 : memref<1x20x64xf32, #tpu.memory_space<hbm>> -> memref<20x64xf32, #tpu.memory_space<hbm>>
        %dma_start3A_64 = arith.constant 0 : i32
        %dma_start3A_65 = arith.constant 0 : i32
        %dma_start3A_66 = tpu.memref_slice %arg7[%add3A_53, %dma_start3A_64, %dma_start3A_65] : memref<16384x20x64xf32, #tpu.memory_space<hbm>> -> memref<1x20x64xf32, #tpu.memory_space<hbm>>
        %dma_start3A_67 = tpu.memref_squeeze %dma_start3A_66 : memref<1x20x64xf32, #tpu.memory_space<hbm>> -> memref<20x64xf32, #tpu.memory_space<hbm>>
        %dma_start3A_68 = arith.constant 60 : i32
        %dma_start3A_69 = arith.constant 0 : i32
        %dma_start3A_70 = tpu.memref_slice %arg11[%dma_start3A_68, %dma_start3A_69] : memref<80x64xf32, #tpu.memory_space<vmem>> -> memref<20x64xf32, #tpu.memory_space<vmem>>
        tpu.enqueue_dma source(%dma_start3A_70 : memref<20x64xf32, #tpu.memory_space<vmem>>) target(%dma_start3A_67 : memref<20x64xf32, #tpu.memory_space<hbm>>) target_semaphore(%run_scoped3A : memref<!tpu.dma_semaphore, #tpu.memory_space<semaphore_mem>>)
        %dma_wait3A_71 = arith.constant 60 : i32
        %dma_wait3A_72 = arith.constant 0 : i32
        %dma_wait3A_73 = tpu.memref_slice %arg11[%dma_wait3A_71, %dma_wait3A_72] : memref<80x64xf32, #tpu.memory_space<vmem>> -> memref<20x64xf32, #tpu.memory_space<vmem>>
        %dma_wait3A_74 = arith.constant 0 : i32
        %dma_wait3A_75 = arith.constant 0 : i32
        %dma_wait3A_76 = tpu.memref_slice %arg7[%add3A_53, %dma_wait3A_74, %dma_wait3A_75] : memref<16384x20x64xf32, #tpu.memory_space<hbm>> -> memref<1x20x64xf32, #tpu.memory_space<hbm>>
        %dma_wait3A_77 = tpu.memref_squeeze %dma_wait3A_76 : memref<1x20x64xf32, #tpu.memory_space<hbm>> -> memref<20x64xf32, #tpu.memory_space<hbm>>
        %dma_wait3A_78 = arith.constant 0 : i32
        %dma_wait3A_79 = arith.constant 0 : i32
        %dma_wait3A_80 = tpu.memref_slice %arg7[%add3A_53, %dma_wait3A_78, %dma_wait3A_79] : memref<16384x20x64xf32, #tpu.memory_space<hbm>> -> memref<1x20x64xf32, #tpu.memory_space<hbm>>
        %dma_wait3A_81 = tpu.memref_squeeze %dma_wait3A_80 : memref<1x20x64xf32, #tpu.memory_space<hbm>> -> memref<20x64xf32, #tpu.memory_space<hbm>>
        %dma_wait3A_82 = arith.constant 60 : i32
        %dma_wait3A_83 = arith.constant 0 : i32
        %dma_wait3A_84 = tpu.memref_slice %arg11[%dma_wait3A_82, %dma_wait3A_83] : memref<80x64xf32, #tpu.memory_space<vmem>> -> memref<20x64xf32, #tpu.memory_space<vmem>>
        tpu.wait_dma2 semaphore(%run_scoped3A : memref<!tpu.dma_semaphore, #tpu.memory_space<semaphore_mem>>) src(%dma_wait3A_84 : memref<20x64xf32, #tpu.memory_space<vmem>>) dst(%dma_wait3A_81 : memref<20x64xf32, #tpu.memory_space<hbm>>)
        tpu.yield
      }) : () -> ()
      %add3A_54 = arith.constant 3 : i32
      %add3A_55 = arith.addi %add3A_13, %add3A_54 : i32
      "tpu.region"() ({
        %run_scoped3A = tpu.sem_alloc : memref<!tpu.dma_semaphore, #tpu.memory_space<semaphore_mem>>
        %dma_start3A_57 = arith.constant 60 : i32
        %dma_start3A_58 = arith.constant 0 : i32
        %dma_start3A_59 = tpu.memref_slice %arg12[%dma_start3A_57, %dma_start3A_58] : memref<80x64xf32, #tpu.memory_space<vmem>> -> memref<20x64xf32, #tpu.memory_space<vmem>>
        %dma_start3A_60 = arith.constant 0 : i32
        %dma_start3A_61 = arith.constant 0 : i32
        %dma_start3A_62 = tpu.memref_slice %arg8[%add3A_55, %dma_start3A_60, %dma_start3A_61] : memref<16384x20x64xf32, #tpu.memory_space<hbm>> -> memref<1x20x64xf32, #tpu.memory_space<hbm>>
        %dma_start3A_63 = tpu.memref_squeeze %dma_start3A_62 : memref<1x20x64xf32, #tpu.memory_space<hbm>> -> memref<20x64xf32, #tpu.memory_space<hbm>>
        %dma_start3A_64 = arith.constant 0 : i32
        %dma_start3A_65 = arith.constant 0 : i32
        %dma_start3A_66 = tpu.memref_slice %arg8[%add3A_55, %dma_start3A_64, %dma_start3A_65] : memref<16384x20x64xf32, #tpu.memory_space<hbm>> -> memref<1x20x64xf32, #tpu.memory_space<hbm>>
        %dma_start3A_67 = tpu.memref_squeeze %dma_start3A_66 : memref<1x20x64xf32, #tpu.memory_space<hbm>> -> memref<20x64xf32, #tpu.memory_space<hbm>>
        %dma_start3A_68 = arith.constant 60 : i32
        %dma_start3A_69 = arith.constant 0 : i32
        %dma_start3A_70 = tpu.memref_slice %arg12[%dma_start3A_68, %dma_start3A_69] : memref<80x64xf32, #tpu.memory_space<vmem>> -> memref<20x64xf32, #tpu.memory_space<vmem>>
        tpu.enqueue_dma source(%dma_start3A_70 : memref<20x64xf32, #tpu.memory_space<vmem>>) target(%dma_start3A_67 : memref<20x64xf32, #tpu.memory_space<hbm>>) target_semaphore(%run_scoped3A : memref<!tpu.dma_semaphore, #tpu.memory_space<semaphore_mem>>)
        %dma_wait3A_71 = arith.constant 60 : i32
        %dma_wait3A_72 = arith.constant 0 : i32
        %dma_wait3A_73 = tpu.memref_slice %arg12[%dma_wait3A_71, %dma_wait3A_72] : memref<80x64xf32, #tpu.memory_space<vmem>> -> memref<20x64xf32, #tpu.memory_space<vmem>>
        %dma_wait3A_74 = arith.constant 0 : i32
        %dma_wait3A_75 = arith.constant 0 : i32
        %dma_wait3A_76 = tpu.memref_slice %arg8[%add3A_55, %dma_wait3A_74, %dma_wait3A_75] : memref<16384x20x64xf32, #tpu.memory_space<hbm>> -> memref<1x20x64xf32, #tpu.memory_space<hbm>>
        %dma_wait3A_77 = tpu.memref_squeeze %dma_wait3A_76 : memref<1x20x64xf32, #tpu.memory_space<hbm>> -> memref<20x64xf32, #tpu.memory_space<hbm>>
        %dma_wait3A_78 = arith.constant 0 : i32
        %dma_wait3A_79 = arith.constant 0 : i32
        %dma_wait3A_80 = tpu.memref_slice %arg8[%add3A_55, %dma_wait3A_78, %dma_wait3A_79] : memref<16384x20x64xf32, #tpu.memory_space<hbm>> -> memref<1x20x64xf32, #tpu.memory_space<hbm>>
        %dma_wait3A_81 = tpu.memref_squeeze %dma_wait3A_80 : memref<1x20x64xf32, #tpu.memory_space<hbm>> -> memref<20x64xf32, #tpu.memory_space<hbm>>
        %dma_wait3A_82 = arith.constant 60 : i32
        %dma_wait3A_83 = arith.constant 0 : i32
        %dma_wait3A_84 = tpu.memref_slice %arg12[%dma_wait3A_82, %dma_wait3A_83] : memref<80x64xf32, #tpu.memory_space<vmem>> -> memref<20x64xf32, #tpu.memory_space<vmem>>
        tpu.wait_dma2 semaphore(%run_scoped3A : memref<!tpu.dma_semaphore, #tpu.memory_space<semaphore_mem>>) src(%dma_wait3A_84 : memref<20x64xf32, #tpu.memory_space<vmem>>) dst(%dma_wait3A_81 : memref<20x64xf32, #tpu.memory_space<hbm>>)
        tpu.yield
      }) : () -> ()
      %scan3A_56 = arith.constant 0 : i32
      scf.yield %scan3A_56 : i32
    }
    %scan3A_8 = arith.constant 128 : i32
    return
  }
}

</mosaic_0001>

<sc_bundles>
// kernel: _sc_gather3.3.cloned.1.call-start
scs
__scs_entry_jumppad:
0x0: {  	(pc) =	sbr.rel $0x88, $3  }
0x1: {  	(tag) =	ssettag $0x0;
	lr =	simm.s32 $0x1  }
0x2: {  	[smem:$0x3F9D] =	sst lr;
	_ =	strace $0xD0000000  }
0x3: {  	_ = 	snop  }
0x4: {  	_ = 	snop  }
0x5: {  	_ = 	snop  }
0x6: {  	_ = 	snop  }
0x7: {  	_ = 	snop  }
__scs_overlays_trampoline_lowered:
0x8: {  	[smem:$0x3FAC] =	sst s0  }
0x9: {  	[smem:$0x3FAD] =	sst s1  }
0xa: {  	[smem:$0x3FAE] =	sst s2  }
0xb: {  	[smem:$0x3FAF] =	sst s3  }
0xc: {  	[smem:$0x3FB0] =	sst s4  }
0xd: {  	[smem:$0x3FB1] =	sst s5  }
0xe: {  	[smem:$0x3FB2] =	sst s6  }
0xf: {  	[smem:$0x3FB3] =	sst s7  }
0x10: {  	[smem:$0x3FB4] =	sst s8  }
0x11: {  	[smem:$0x3FB5] =	sst s9;
	s0 =	simm.s32 @!p0 $0x0  }
0x12: {  	s1 =	sld [smem:$0x3F9B];
	s0 =	simm.s32 @p0 $0x1  }
0x13: {  	[smem:$0x3FB6] =	sst s0;
	s0 =	simm.s32 @!p1 $0x0  }
0x14: {  	s2 =	sld [smem:$0x3F9A];
	s0 =	simm.s32 @p1 $0x1  }
0x15: {  	[smem:$0x3FB7] =	sst s0;
	s0 =	simm.s32 @!p2 $0x0  }
0x16: {  	s3 =	sld [smem:$0x3FDB];
	s0 =	simm.s32 @p2 $0x1  }
0x17: {  	s4 =	simm.s32 $0x1BF5;
	[smem:$0x3FB9] =	sst s0  }
0x18: {  	s0 =	sld [smem:$0x3F9C];
	_ =	swait.ge [sflag:s4], $0x0  }
0x19: {  	s7 =	sld [smem:$0x3F9D]  }
0x1a: {  	s8 =	sadd.s32 $0xFFFFE003, lr  }
0x1b: {  	s9 =	sadd.s32 $0xFFFFFEF7, lr;
	s5 =	simm.s32 $0xFFFFFFFF;
	p2 =	slt.u32 s8, $0xFFFFF086  }
0x1c: {  	p1 =	slt.u32 s9, $0xF7A;
	s5 =	simm.s32 @!p2 $0x0  }
0x1d: {  	s5 =	simm.s32 @p1 $0x1;
	p0 =	seq.s32 s7, s2  }
0x1e: {  	s7 =	smul.u32 @!p0 $0xF7A, s2;
	p2 =	seq.s32 @!p0 s5, $0x0  }
0x1f: {  	s9 =	smul.u32 $0xF7A, s1;
	s8 =	simm.s32 @!p0 $0x1BF5;
	p2 =	por !p2, p0  }
0x20: {  	[sflag:s8] =	ssyncset.s32 @!p0 $0xFFFFF086;
	s6 =	sadd.s32 @!p0 s3, s7;
	s7 =	simm.s32 @!p0 $0x108  }
0x21: {  	s3 =	sadd.s32 s3, s9;
	s6 =	sadd.s32 @!p0 $0x88, s6;
	s7 =	simm.s32 @p2 $0x1082  }
0x22: {  	[simem:s7], [sflag:s8] =	dma.local @!p0 [hbm:s6], $0xF7A  }
0x23: {  	s9 =	sor.u32 $0xD0000000, s2;
	s6 =	simm.s32 $0x108;
	_ =	swait.ge @!p0 [sflag:s8], $0x0  }
0x24: {  	s3 =	sadd.s32 $0x88, s3;
	s6 =	simm.s32 @!p1 $0x1082;
	[sflag:s4] =	ssyncset.s32 $0xFFFFF086  }
0x25: {  	[simem:s6], [sflag:s4] =	dma.local [hbm:s3], $0xF7A  }
0x26: {  	[smem:$0x3F9D] =	sst s1;
	(tag) =	ssettag s2;
	_ =	strace s9  }
0x27: {  	s1 =	sld [smem:$0x3FAD]  }
0x28: {  	s2 =	sld [smem:$0x3FAE]  }
0x29: {  	s4 =	sld [smem:$0x3FB0]  }
0x2a: {  	p0 =	seq.s32 s5, $0x0;
	s5 =	sld [smem:$0x3FB1]  }
0x2b: {  	s6 =	sld [smem:$0x3FB2]  }
0x2c: {  	s7 =	sld [smem:$0x3FB3]  }
0x2d: {  	s3 =	simm.s32 $0x108;
	s8 =	sld [smem:$0x3FB4]  }
0x2e: {  	s3 =	simm.s32 @!p0 $0x1082;
	s9 =	sld [smem:$0x3FB5]  }
0x2f: {  	lr =	sadd.s32 s0, s3;
	s0 =	sld [smem:$0x3FAC]  }
0x30: {  	s3 =	sld [smem:$0x3FAF]  }
0x31: {  	[smem:$0x3FB8] =	sst s10  }
0x32: {  	s10 =	sld [smem:$0x3FB6];
	_ =	sdelay $0x3  }
0x33: {  	p0 =	seq.s32 s10, $0x1;
	s10 =	sld [smem:$0x3FB8];
	_ =	sdelay $0x3  }
0x34: {  	[smem:$0x3FB8] =	sst s10  }
0x35: {  	s10 =	sld [smem:$0x3FB7];
	_ =	sdelay $0x3  }
0x36: {  	p1 =	seq.s32 s10, $0x1;
	s10 =	sld [smem:$0x3FB8];
	_ =	sdelay $0x3  }
0x37: {  	[smem:$0x3FB8] =	sst s10  }
0x38: {  	s10 =	sld [smem:$0x3FB9]  }
0x39: {  	_ = 	snop;
	(pc) =	sbr.ind lr, $3  }
0x3a: {  	_ = 	snop  }
0x3b: {  	_ = 	snop  }
0x3c: {  	p2 =	seq.s32 s10, $0x1;
	s10 =	sld [smem:$0x3FB8]  }
0x3d: {  	_ =	shalt  }
0x3e: {  	_ =	shalt  }
0x3f: {  	_ =	shalt  }
0x40: {  	_ =	shalt  }
0x41: {  	_ =	shalt  }
0x42: {  	_ =	shalt  }
0x43: {  	_ =	shalt  }
0x44: {  	_ =	shalt  }
0x45: {  	_ =	shalt  }
0x46: {  	_ =	shalt  }
0x47: {  	_ =	shalt  }
0x48: {  	_ =	shalt  }
0x49: {  	_ =	shalt  }
0x4a: {  	_ =	shalt  }
0x4b: {  	_ =	shalt  }
0x4c: {  	_ =	shalt  }
0x4d: {  	_ =	shalt  }
0x4e: {  	_ =	shalt  }
0x4f: {  	_ =	shalt  }
0x50: {  	_ =	shalt  }
0x51: {  	_ =	shalt  }
0x52: {  	_ =	shalt  }
0x53: {  	_ =	shalt  }
0x54: {  	_ =	shalt  }
0x55: {  	_ =	shalt  }
0x56: {  	_ =	shalt  }
0x57: {  	_ =	shalt  }
0x58: {  	_ =	shalt  }
0x59: {  	_ =	shalt  }
0x5a: {  	_ =	shalt  }
0x5b: {  	_ =	shalt  }
0x5c: {  	_ =	shalt  }
0x5d: {  	_ =	shalt  }
0x5e: {  	_ =	shalt  }
0x5f: {  	_ =	shalt  }
0x60: {  	_ =	shalt  }
0x61: {  	_ =	shalt  }
0x62: {  	_ =	shalt  }
0x63: {  	_ =	shalt  }
0x64: {  	_ =	shalt  }
0x65: {  	_ =	shalt  }
0x66: {  	_ =	shalt  }
0x67: {  	_ =	shalt  }
0x68: {  	_ =	shalt  }
0x69: {  	_ =	shalt  }
0x6a: {  	_ =	shalt  }
0x6b: {  	_ =	shalt  }
0x6c: {  	_ =	shalt  }
0x6d: {  	_ =	shalt  }
0x6e: {  	_ =	shalt  }
0x6f: {  	_ =	shalt  }
0x70: {  	_ =	shalt  }
0x71: {  	_ =	shalt  }
0x72: {  	_ =	shalt  }
0x73: {  	_ =	shalt  }
0x74: {  	_ =	shalt  }
0x75: {  	_ =	shalt  }
0x76: {  	_ =	shalt  }
0x77: {  	_ =	shalt  }
0x78: {  	_ =	shalt  }
0x79: {  	_ =	shalt  }
0x7a: {  	_ =	shalt  }
0x7b: {  	_ =	shalt  }
0x7c: {  	_ =	shalt  }
0x7d: {  	_ =	shalt  }
0x7e: {  	_ =	shalt  }
0x7f: {  	_ =	shalt  }
0x80: {  	_ =	shalt  }
0x81: {  	_ =	shalt  }
0x82: {  	_ =	shalt  }
0x83: {  	_ =	shalt  }
0x84: {  	_ =	shalt  }
0x85: {  	_ =	shalt  }
0x86: {  	_ =	shalt  }
0x87: {  	_ =	shalt  }
.Lfunc_end0:
.L_simem_size_0:
called_computation.3_lowered:
.L_overlay_start_0:
0x88: {  	s2 =	sld [smem:$0x3FD9]  }
0x89: {  	s3 =	sld [smem:$0x3FFE];
	_ =	sdelay $0x1  }
0x8a: {  	s1 =	srdreg.scid  }
0x8b: {  	s0 =	sand.u32 $0x1, s1  }
0x8c: {  	s14 =	sshll.u32 s0, $0xA;
	s2 =	sadd.s32 s3, s2  }
0x8d: {  	s2 =	sadd.s32 s2, s14  }
0x8e: {  	[smem:$0x3FC4] =	sst s2  }
0x8f: {  	_ = 	snop  }
0x90: {  	s2 =	sld [smem:$0x3FD0];
	_ =	sdelay $0x2  }
0x91: {  	s4 =	simm.s32 $0xC;
	s5 =	simm.s32 $0x10;
	s15 =	sld [smem:$0x3FC9]  }
0x92: {  	[smem:s5], [sflag:s4] =	dma.local [hbm:s2], $0x1  }
0x93: {  	_ =	swait.eq [sflag:s4], $0x1  }
0x94: {  	s16 =	sld [smem:$0x10];
	[sflag:s4] =	ssyncset.done $0x0  }
0x95: {  	s17 =	sld [smem:$0x11];
	[sflag:s4] =	ssyncadd.s32 $0xFFFFFFFF  }
0x96: {  	s18 =	sld [smem:$0x12];
	(tm) =	ssettm $0x1  }
0x97: {  	s6 =	sld [smem:$0x3FFB];
	_ =	sdelay $0x3  }
0x98: {  	_ =	strace s6  }
0x99: {  	s6 =	sld [smem:$0x3FFC];
	_ =	sdelay $0x3  }
0x9a: {  	_ =	strace s6  }
0x9b: {  	s6 =	sld [smem:$0x3FFD];
	_ =	sdelay $0x3  }
0x9c: {  	_ =	strace s6  }
0x9d: {  	_ =	strace $0x8FFFFFFF  }
0x9e: {  	s19 =	sld [smem:$0x3FDB];
	_ =	sdelay $0x1  }
0x9f: {  	s7 =	simm.s32 $_scs_section_size  }
0xa0: {  	s8 =	simm.s32 $_size__tile_overlayer_lowered;
	s9 =	simm.s32 $_tile_overlayer_lowered  }
0xa1: {  	s22 =	simm.s32 $0x1BFF;
	s21 =	sshll.u32 s9, $0x1;
	s6 =	sadd.s32 s7, s19  }
0xa2: {  	s10 =	simm.s32 $0x0;
	s20 =	sshll.u32 s8, $0x1;
	s8 =	sadd.s32 s21, s6  }
0xa3: {  	[timem:s10], [sflag:s22] =	dma.local [hbm:s8], s20  }
0xa4: {  	_ =	swait.ge [sflag:s22], s20  }
0xa5: {  	s7 =	ssub.s32 $0x0, s20;
	[sflag:s22] =	ssyncset.done $0x0  }
0xa6: {  	[sflag:s22] =	ssyncadd.s32 s7;
	_ =	sdelay $0x1  }
0xa7: {  	s23 =	simm.s32 $0x1B8B  }
0xa8: {  	_ =	swait.ge [sflag:s23], $0x1  }
0xa9: {  	[sflag:s23] =	ssyncset.done $0x0  }
0xaa: {  	s25 =	simm.s32 $0x1B8E;
	s24 =	sld [smem:$0x3FFE];
	[sflag:s23] =	ssyncadd.s32 $0xFFFFFFFF  }
0xab: {  	s26 =	simm.s32 $execute0_lowered;
	[smem:$0x3FD2] =	sst s25  }
0xac: {  	s8 =	sshll.u32 s26, $0x1;
	_ =	strace $0x80000046;
	[dreg:$0x1] =	wrdreg $0xFFFFFFFF  }
0xad: {  	s28 =	simm.s32 $_size_execute0_lowered;
	s6 =	sadd.s32 s6, s8;
	[dreg:$0x0] =	wrdreg $0x0  }
0xae: {  	s8 =	sshll.u32 s28, $0x1;
	[dreg:$0x2] =	wrdreg s6  }
0xaf: {  	[dreg:$0x3] =	wrdreg s8  }
0xb0: {  	[dreg:$0x4] =	wrdreg $0xC0  }
0xb1: {  	_ =	task [dreg:s10], $0x5FFFF  }
0xb2: {  	[dreg:$0x1] =	wrdreg $0xFFFFFFFF  }
0xb3: {  	[dreg:$0x0] =	wrdreg $0x60  }
0xb4: {  	[dreg:$0x2] =	wrdreg s15  }
0xb5: {  	[dreg:$0x3] =	wrdreg s24  }
0xb6: {  	[dreg:$0x4] =	wrdreg s16  }
0xb7: {  	[dreg:$0x5] =	wrdreg s17  }
0xb8: {  	[dreg:$0x6] =	wrdreg s18  }
0xb9: {  	[dreg:$0x7] =	wrdreg $0x9  }
0xba: {  	_ =	task.clear_ibuf [dreg:s10], $0x8FFFF;
	_ =	strace $0x90000046  }
0xbb: {  	s29 =	simm.s32 $0x9;
	_ =	strace $0x80000048  }
0xbc: {  	_ =	swait.ge [sflag:s29], $0x1  }
0xbd: {  	[sflag:s29] =	ssyncadd.s32 $0xFFFFFFFF  }
0xbe: {  	_ =	strace $0x90000048  }
0xbf: {  	_ =	sfence  }
0xc0: {  	s30 =	sld [smem:$0x0];
	_ =	sdelay $0x2  }
0xc1: {  	s31 =	sshll.u32 s1, $0xD;
	s1 =	sshrl.u32 s1, $0x2  }
0xc2: {  	s3 =	sand.u32 $0x4000, s31;
	s1 =	sadd.s32 s1, s30  }
0xc3: {  	s0 =	sor.u32 s3, s0;
	s1 =	sshll.u32 s1, $0x11  }
0xc4: {  	s0 =	sor.u32 s1, s0  }
0xc5: {  	s0 =	sadd.s32 $0x8F2B, s0  }
0xc6: {  	[sflag:s0] =	ssyncadd.remote.s32 $0x1  }
0xc7: {  	_ =	sfence.sel $0xFFFF  }
0xc8: {  	[dreg:$0x0] =	wrdreg $0xFFFFFFFF;
	(pc) =	sbr.abs _section_cstart, $3  }
0xc9: {  	[dreg:$0x1] =	wrdreg $0xFFFFFFFF  }
0xca: {  	_ =	task.clear_ibuf [dreg:s10], $0x2FFFF;
	_ =	strace $0x9FFFFFFF  }
0xcb: {  	(tm) =	ssettm $0x7FFFFFFF  }
tec
execute0_lowered:
.L_overlay_start_1:
0x0: {  	(tag) =	ssettag $0x1  }
0x1: {  	s4 =	rddreg [dreg:$0x0]  }
0x2: {  	s3 =	rddreg [dreg:$0x1]  }
0x3: {  	s5 =	rddreg [dreg:$0x2]  }
0x4: {  	s6 =	rddreg [dreg:$0x3];
	s1 =	srdreg.scid  }
0x5: {  	s0 =	stileid.u32;
	s7 =	rddreg [dreg:$0x4]  }
0x6: {  	s2 =	simm.s32 $0x0;
	s8 =	sand.u32 $0x1, s1;
	s1 =	rddreg [dreg:$0x5]  }
0x7: {  	s9 =	smul.u32 $0x140000, s0;
	[smem:$0x7FF] =	sst s2  }
0x8: {  	s11 =	sadd.s32 $0x1400, s3;
	s12 =	sadd.s32 $0x1800, s3;
	s3 =	sadd.s32 $0x1C00, s3  }
0x9: {  	s26 =	smul.u32 $0x5000, s0;
	_ =	strace $0x80000047;
	[dreg:$0x6] =	wrdreg s11  }
0xa: {  	s10 =	smul.u32 $0xA0000, s8;
	[dreg:$0x7] =	wrdreg s12;
	s20 =	ssub.s32 $0x2, s8  }
0xb: {  	s31 =	smul.u32 $0x28000, s0;
	[dreg:$0x8] =	wrdreg s3;
	s12 =	sshrl.u32 s20, $0x1  }
0xc: {  	s9 =	sadd.s32 s10, s9;
	s11 =	ssub.s32 s20, s12;
	s12 =	simm.s32 $0x550  }
0xd: {  	s20 =	simm.s32 $0x3750;
	s13 =	sor.u32 $0xF00, s9;
	s17 =	sor.u32 $0xA00, s9  }
0xe: {  	s23 =	sor.u32 $0x500, s9;
	s3 =	smax.u32 s11, $0x1;
	s14 =	sshrl.u32 s13, $0x3  }
0xf: {  	s11 =	simm.s32 $0x1;
	s19 =	sshrl.u32 s17, $0x3;
	s15 =	sadd.s32 s14, s7  }
0x10: {  	s25 =	sshrl.u32 s23, $0x3;
	s16 =	sadd.s32 s14, s6;
	[dreg:$0x9] =	wrdreg s15  }
0x11: {  	s13 =	smul.u32 $0x2800, s8;
	s18 =	sadd.s32 s14, s5;
	[dreg:$0xa] =	wrdreg s16  }
0x12: {  	s8 =	smul.u32 $0x14000, s8;
	s21 =	sadd.s32 s19, s7;
	[dreg:$0xb] =	wrdreg s18  }
0x13: {  	s17 =	simm.s32 $0x3250;
	s22 =	sadd.s32 s19, s6;
	[dreg:$0xc] =	wrdreg s21  }
0x14: {  	s24 =	sadd.s32 s19, s5;
	s28 =	sadd.s32 s25, s7;
	[dreg:$0xd] =	wrdreg s22  }
0x15: {  	s29 =	sadd.s32 s25, s6;
	s10 =	sadd.s32 s25, s5;
	[dreg:$0xe] =	wrdreg s24  }
0x16: {  	s5 =	sadd.s32 s31, s5;
	s6 =	sadd.s32 s31, s6;
	[dreg:$0xf] =	wrdreg s28  }
0x17: {  	s7 =	sadd.s32 s31, s7;
	s14 =	simm.s32 $0x2D50;
	[dreg:$0x10] =	wrdreg s29  }
0x18: {  	s19 =	simm.s32 $0x2350;
	s30 =	sadd.s32 s13, s26;
	[dreg:$0x11] =	wrdreg s10  }
0x19: {  	s5 =	sadd.s32 s8, s5;
	s10 =	simm.s32 $0x2850;
	s13 =	simm.s32 $0x1950  }
0x1a: {  	s15 =	simm.s32 $0xA50;
	s16 =	simm.s32 $0x1E50;
	s18 =	simm.s32 $0xF50  }
0x1b: {  	s21 =	simm.s32 $0x0;
	s9 =	sshrl.u32 s30, $0x3;
	[dreg:$0x12] =	wrdreg s5  }
0x1c: {  	s5 =	sadd.s32 s8, s6;
	s6 =	sadd.s32 s8, s7;
	s7 =	simm.s32 $0x2  }
0x1d: {  	s8 =	simm.s32 $0x50;
	s4 =	sadd.s32 s9, s4;
	s9 =	simm.s32 $0x1450  }
.LBB2_1:
0x1e: {  	[tilespmem:s2], [sflag:$0x2] =	stream.linear.gather [hbm4b:s4+s2], $0x50, $0x38;
	[tilespmem:$0x3C50] =	vst v63  }
0x1f: {  	_ =	swait.ge [sflag:s7], $0x50  }
0x20: {  	[sflag:s7] =	ssyncset.done $0x0  }
0x21: {  	s22 =	rddreg [dreg:$0x6];
	[sflag:s7] =	ssyncadd.s32 $0xFFFFFFB0  }
0x22: {  	[tilespmem:s8], [sflag:$0x1] =	stream.indirect.gather [hbm4b:s22+s8], $0x40, s2, s8, $0xb8;
	[tilespmem:$0x3C50] =	vst v63  }
0x23: {  	s23 =	rddreg [dreg:$0x7]  }
0x24: {  	[tilespmem:s9], [sflag:$0x1] =	stream.indirect.gather [hbm4b:s23+s8], $0x40, s2, s8, $0xb8;
	[tilespmem:$0x3C50] =	vst v63  }
0x25: {  	s26 =	rddreg [dreg:$0x8]  }
0x26: {  	[tilespmem:s10], [sflag:$0x1] =	stream.indirect.gather [hbm4b:s26+s8], $0x40, s2, s8, $0xb8;
	[tilespmem:$0x3C50] =	vst v63  }
0x27: {  	_ =	swait.ge [sflag:s11], $0x1400  }
0x28: {  	[sflag:s11] =	ssyncset.done $0x0  }
0x29: {  	[sflag:s11] =	ssyncadd.s32 $0xFFFFEC00  }
0x2a: {  	_ =	swait.ge [sflag:s11], $0x1400  }
0x2b: {  	[sflag:s11] =	ssyncset.done $0x0  }
0x2c: {  	[sflag:s11] =	ssyncadd.s32 $0xFFFFEC00  }
0x2d: {  	_ =	swait.ge [sflag:s11], $0x1400  }
0x2e: {  	s28 =	rddreg [dreg:$0x12];
	[sflag:s11] =	ssyncset.done $0x0  }
0x2f: {  	[sflag:s11] =	ssyncadd.s32 $0xFFFFEC00;
	s22 =	sadd.s32 $0x0, s28  }
0x30: {  	[hbm4b:s22+s2] =	stream.linear.scatter [tilespmem:s8], [sflag:$0x2], $0x500, $0x38;
	[tilespmem:$0x3C50] =	vst v63  }
0x31: {  	_ =	swait.ge [sflag:s7], $0x500  }
0x32: {  	[sflag:s7] =	ssyncset.done $0x0  }
0x33: {  	s29 =	sadd.s32 $0x0, s5;
	[sflag:s7] =	ssyncadd.s32 $0xFFFFFB00  }
0x34: {  	[hbm4b:s29+s2] =	stream.linear.scatter [tilespmem:s9], [sflag:$0x2], $0x500, $0x38;
	[tilespmem:$0x3C50] =	vst v63  }
0x35: {  	_ =	swait.ge [sflag:s7], $0x500  }
0x36: {  	[sflag:s7] =	ssyncset.done $0x0  }
0x37: {  	s30 =	sadd.s32 $0x0, s6;
	[sflag:s7] =	ssyncadd.s32 $0xFFFFFB00  }
0x38: {  	[hbm4b:s30+s2] =	stream.linear.scatter [tilespmem:s10], [sflag:$0x2], $0x500, $0x38;
	[tilespmem:$0x3C50] =	vst v63  }
0x39: {  	_ =	swait.ge [sflag:s7], $0x500  }
0x3a: {  	s31 =	rddreg [dreg:$0x11];
	[sflag:s7] =	ssyncset.done $0x0  }
0x3b: {  	[sflag:s7] =	ssyncadd.s32 $0xFFFFFB00;
	s22 =	sadd.s32 $0x0, s31  }
0x3c: {  	[hbm4b:s22+s2] =	stream.linear.scatter [tilespmem:s12], [sflag:$0x2], $0x500, $0x38;
	[tilespmem:$0x3C50] =	vst v63  }
0x3d: {  	_ =	swait.ge [sflag:s7], $0x500  }
0x3e: {  	s23 =	rddreg [dreg:$0x10];
	[sflag:s7] =	ssyncset.done $0x0  }
0x3f: {  	[sflag:s7] =	ssyncadd.s32 $0xFFFFFB00;
	s22 =	sadd.s32 $0x0, s23  }
0x40: {  	[hbm4b:s22+s2] =	stream.linear.scatter [tilespmem:s13], [sflag:$0x2], $0x500, $0x38;
	[tilespmem:$0x3C50] =	vst v63  }
0x41: {  	_ =	swait.ge [sflag:s7], $0x500  }
0x42: {  	s24 =	rddreg [dreg:$0xf];
	[sflag:s7] =	ssyncset.done $0x0  }
0x43: {  	[sflag:s7] =	ssyncadd.s32 $0xFFFFFB00;
	s22 =	sadd.s32 $0x0, s24  }
0x44: {  	[hbm4b:s22+s2] =	stream.linear.scatter [tilespmem:s14], [sflag:$0x2], $0x500, $0x38;
	[tilespmem:$0x3C50] =	vst v63  }
0x45: {  	_ =	swait.ge [sflag:s7], $0x500  }
0x46: {  	s25 =	rddreg [dreg:$0xe];
	[sflag:s7] =	ssyncset.done $0x0  }
0x47: {  	[sflag:s7] =	ssyncadd.s32 $0xFFFFFB00;
	s22 =	sadd.s32 $0x0, s25  }
0x48: {  	[hbm4b:s22+s2] =	stream.linear.scatter [tilespmem:s15], [sflag:$0x2], $0x500, $0x38;
	[tilespmem:$0x3C50] =	vst v63  }
0x49: {  	_ =	swait.ge [sflag:s7], $0x500  }
0x4a: {  	s26 =	rddreg [dreg:$0xd];
	[sflag:s7] =	ssyncset.done $0x0  }
0x4b: {  	[sflag:s7] =	ssyncadd.s32 $0xFFFFFB00;
	s22 =	sadd.s32 $0x0, s26  }
0x4c: {  	[hbm4b:s22+s2] =	stream.linear.scatter [tilespmem:s16], [sflag:$0x2], $0x500, $0x38;
	[tilespmem:$0x3C50] =	vst v63  }
0x4d: {  	_ =	swait.ge [sflag:s7], $0x500  }
0x4e: {  	s28 =	rddreg [dreg:$0xc];
	[sflag:s7] =	ssyncset.done $0x0  }
0x4f: {  	[sflag:s7] =	ssyncadd.s32 $0xFFFFFB00;
	s22 =	sadd.s32 $0x0, s28  }
0x50: {  	[hbm4b:s22+s2] =	stream.linear.scatter [tilespmem:s17], [sflag:$0x2], $0x500, $0x38;
	[tilespmem:$0x3C50] =	vst v63  }
0x51: {  	_ =	swait.ge [sflag:s7], $0x500  }
0x52: {  	s29 =	rddreg [dreg:$0xb];
	[sflag:s7] =	ssyncset.done $0x0  }
0x53: {  	[sflag:s7] =	ssyncadd.s32 $0xFFFFFB00;
	s22 =	sadd.s32 $0x0, s29  }
0x54: {  	[hbm4b:s22+s2] =	stream.linear.scatter [tilespmem:s18], [sflag:$0x2], $0x500, $0x38;
	[tilespmem:$0x3C50] =	vst v63  }
0x55: {  	_ =	swait.ge [sflag:s7], $0x500  }
0x56: {  	s30 =	rddreg [dreg:$0xa];
	[sflag:s7] =	ssyncset.done $0x0  }
0x57: {  	[sflag:s7] =	ssyncadd.s32 $0xFFFFFB00;
	s22 =	sadd.s32 $0x0, s30  }
0x58: {  	[hbm4b:s22+s2] =	stream.linear.scatter [tilespmem:s19], [sflag:$0x2], $0x500, $0x38;
	[tilespmem:$0x3C50] =	vst v63  }
0x59: {  	_ =	swait.ge [sflag:s7], $0x500  }
0x5a: {  	s31 =	rddreg [dreg:$0x9];
	[sflag:s7] =	ssyncset.done $0x0  }
0x5b: {  	[sflag:s7] =	ssyncadd.s32 $0xFFFFFB00;
	s22 =	sadd.s32 $0x0, s31  }
0x5c: {  	[hbm4b:s22+s2] =	stream.linear.scatter [tilespmem:s20], [sflag:$0x2], $0x500, $0x38;
	[tilespmem:$0x3C50] =	vst v63  }
0x5d: {  	_ =	swait.ge [sflag:s7], $0x500  }
0x5e: {  	s23 =	smov.u32 s4;
	s22 =	simm.s32 $0x280;
	[sflag:s7] =	ssyncset.done $0x0  }
.LBB2_2:
0x5f: {  	[sflag:s7] =	ssyncadd.s32 $0xFFFFFB00;
	s23 =	sadd.s32 $0xA, s23  }
0x60: {  	[tilespmem:s2], [sflag:$0x2] =	stream.linear.gather [hbm4b:s23+s2], $0x50, $0x38;
	[tilespmem:$0x3C50] =	vst v63  }
0x61: {  	_ =	swait.ge [sflag:s7], $0x50  }
0x62: {  	[sflag:s7] =	ssyncset.done $0x0  }
0x63: {  	s25 =	rddreg [dreg:$0x6];
	[sflag:s7] =	ssyncadd.s32 $0xFFFFFFB0  }
0x64: {  	[tilespmem:s8], [sflag:$0x1] =	stream.indirect.gather [hbm4b:s25+s8], $0x40, s2, s8, $0xb8;
	[tilespmem:$0x3C50] =	vst v63  }
0x65: {  	s26 =	rddreg [dreg:$0x7]  }
0x66: {  	[tilespmem:s9], [sflag:$0x1] =	stream.indirect.gather [hbm4b:s26+s8], $0x40, s2, s8, $0xb8;
	[tilespmem:$0x3C50] =	vst v63  }
0x67: {  	s29 =	rddreg [dreg:$0x8]  }
0x68: {  	[tilespmem:s10], [sflag:$0x1] =	stream.indirect.gather [hbm4b:s29+s8], $0x40, s2, s8, $0xb8;
	[tilespmem:$0x3C50] =	vst v63  }
0x69: {  	_ =	swait.ge [sflag:s11], $0x1400  }
0x6a: {  	[sflag:s11] =	ssyncset.done $0x0  }
0x6b: {  	[sflag:s11] =	ssyncadd.s32 $0xFFFFEC00  }
0x6c: {  	_ =	swait.ge [sflag:s11], $0x1400  }
0x6d: {  	[sflag:s11] =	ssyncset.done $0x0  }
0x6e: {  	[sflag:s11] =	ssyncadd.s32 $0xFFFFEC00  }
0x6f: {  	_ =	swait.ge [sflag:s11], $0x1400  }
0x70: {  	s24 =	smov.u32 s22;
	s30 =	rddreg [dreg:$0x12];
	[sflag:s11] =	ssyncset.done $0x0  }
0x71: {  	[sflag:s11] =	ssyncadd.s32 $0xFFFFEC00;
	s25 =	sadd.s32 s24, s30  }
0x72: {  	[hbm4b:s25+s2] =	stream.linear.scatter [tilespmem:s8], [sflag:$0x2], $0x500, $0x38;
	[tilespmem:$0x3C50] =	vst v63  }
0x73: {  	_ =	swait.ge [sflag:s7], $0x500  }
0x74: {  	[sflag:s7] =	ssyncset.done $0x0  }
0x75: {  	s31 =	sadd.s32 s24, s5;
	[sflag:s7] =	ssyncadd.s32 $0xFFFFFB00  }
0x76: {  	[hbm4b:s31+s2] =	stream.linear.scatter [tilespmem:s9], [sflag:$0x2], $0x500, $0x38;
	[tilespmem:$0x3C50] =	vst v63  }
0x77: {  	_ =	swait.ge [sflag:s7], $0x500  }
0x78: {  	[sflag:s7] =	ssyncset.done $0x0  }
0x79: {  	s26 =	sadd.s32 s24, s6;
	[sflag:s7] =	ssyncadd.s32 $0xFFFFFB00  }
0x7a: {  	[hbm4b:s26+s2] =	stream.linear.scatter [tilespmem:s10], [sflag:$0x2], $0x500, $0x38;
	[tilespmem:$0x3C50] =	vst v63  }
0x7b: {  	_ =	swait.ge [sflag:s7], $0x500  }
0x7c: {  	s28 =	rddreg [dreg:$0x11];
	[sflag:s7] =	ssyncset.done $0x0  }
0x7d: {  	[sflag:s7] =	ssyncadd.s32 $0xFFFFFB00;
	s25 =	sadd.s32 s24, s28  }
0x7e: {  	[hbm4b:s25+s2] =	stream.linear.scatter [tilespmem:s12], [sflag:$0x2], $0x500, $0x38;
	[tilespmem:$0x3C50] =	vst v63  }
0x7f: {  	_ =	swait.ge [sflag:s7], $0x500  }
0x80: {  	s29 =	rddreg [dreg:$0x10];
	[sflag:s7] =	ssyncset.done $0x0  }
0x81: {  	[sflag:s7] =	ssyncadd.s32 $0xFFFFFB00;
	s25 =	sadd.s32 s24, s29  }
0x82: {  	[hbm4b:s25+s2] =	stream.linear.scatter [tilespmem:s13], [sflag:$0x2], $0x500, $0x38;
	[tilespmem:$0x3C50] =	vst v63  }
0x83: {  	_ =	swait.ge [sflag:s7], $0x500  }
0x84: {  	s30 =	rddreg [dreg:$0xf];
	[sflag:s7] =	ssyncset.done $0x0  }
0x85: {  	[sflag:s7] =	ssyncadd.s32 $0xFFFFFB00;
	s25 =	sadd.s32 s24, s30  }
0x86: {  	[hbm4b:s25+s2] =	stream.linear.scatter [tilespmem:s14], [sflag:$0x2], $0x500, $0x38;
	[tilespmem:$0x3C50] =	vst v63  }
0x87: {  	_ =	swait.ge [sflag:s7], $0x500  }
0x88: {  	s31 =	rddreg [dreg:$0xe];
	[sflag:s7] =	ssyncset.done $0x0  }
0x89: {  	[sflag:s7] =	ssyncadd.s32 $0xFFFFFB00;
	s25 =	sadd.s32 s24, s31  }
0x8a: {  	[hbm4b:s25+s2] =	stream.linear.scatter [tilespmem:s15], [sflag:$0x2], $0x500, $0x38;
	[tilespmem:$0x3C50] =	vst v63  }
0x8b: {  	_ =	swait.ge [sflag:s7], $0x500  }
0x8c: {  	s26 =	rddreg [dreg:$0xd];
	[sflag:s7] =	ssyncset.done $0x0  }
0x8d: {  	[sflag:s7] =	ssyncadd.s32 $0xFFFFFB00;
	s25 =	sadd.s32 s24, s26  }
0x8e: {  	[hbm4b:s25+s2] =	stream.linear.scatter [tilespmem:s16], [sflag:$0x2], $0x500, $0x38;
	[tilespmem:$0x3C50] =	vst v63  }
0x8f: {  	_ =	swait.ge [sflag:s7], $0x500  }
0x90: {  	s28 =	rddreg [dreg:$0xc];
	[sflag:s7] =	ssyncset.done $0x0  }
0x91: {  	[sflag:s7] =	ssyncadd.s32 $0xFFFFFB00;
	s25 =	sadd.s32 s24, s28  }
0x92: {  	[hbm4b:s25+s2] =	stream.linear.scatter [tilespmem:s17], [sflag:$0x2], $0x500, $0x38;
	[tilespmem:$0x3C50] =	vst v63  }
0x93: {  	_ =	swait.ge [sflag:s7], $0x500  }
0x94: {  	s29 =	rddreg [dreg:$0xb];
	[sflag:s7] =	ssyncset.done $0x0  }
0x95: {  	[sflag:s7] =	ssyncadd.s32 $0xFFFFFB00;
	s25 =	sadd.s32 s24, s29  }
0x96: {  	[hbm4b:s25+s2] =	stream.linear.scatter [tilespmem:s18], [sflag:$0x2], $0x500, $0x38;
	[tilespmem:$0x3C50] =	vst v63  }
0x97: {  	_ =	swait.ge [sflag:s7], $0x500  }
0x98: {  	s30 =	rddreg [dreg:$0xa];
	[sflag:s7] =	ssyncset.done $0x0  }
0x99: {  	[sflag:s7] =	ssyncadd.s32 $0xFFFFFB00;
	s25 =	sadd.s32 s24, s30  }
0x9a: {  	[hbm4b:s25+s2] =	stream.linear.scatter [tilespmem:s19], [sflag:$0x2], $0x500, $0x38;
	[tilespmem:$0x3C50] =	vst v63  }
0x9b: {  	p0 =	sne.s32 s22, $0x13D80;
	_ =	swait.ge [sflag:s7], $0x500  }
.Ltmp0:
0x9c: {  	s31 =	rddreg [dreg:$0x9];
	[sflag:s7] =	ssyncset.done $0x0;
	(pc) =	sbr.rel @p0 .LBB2_2-.Ltmp0, $4  }
0x9d: {  	[sflag:s7] =	ssyncadd.s32 $0xFFFFFB00;
	s24 =	sadd.s32 s24, s31  }
0x9e: {  	[hbm4b:s24+s2] =	stream.linear.scatter [tilespmem:s20], [sflag:$0x2], $0x500, $0x38;
	[tilespmem:$0x3C50] =	vst v63  }
0x9f: {  	_ =	swait.ge [sflag:s7], $0x500  }
0xa0: {  	s22 =	sadd.s32 $0x280, s22;
	[sflag:s7] =	ssyncset.done $0x0  }
0xa1: {  	s21 =	sadd.s32 $0x1, s21  }
0xa2: {  	p0 =	sne.s32 s21, s3  }
.Ltmp1:
0xa3: {  	_ = 	snop;
	(pc) =	sbr.rel @p0 .LBB2_1-.Ltmp1, $2  }
0xa4: {  	_ =	sdelay $0x2  }
0xa5: {  	[sflag:s7] =	ssyncadd.s32 $0xFFFFFB00  }
0xa6: {  	_ =	sfence.sel $0x180000  }
0xa7: {  	[bflag:$0x0] =	sbarrier.arrive $0xFFFF  }
0xa8: {  	p0 =	sne.s32 s0, $0x0;
	_ =	strace $0x90000047  }
0xa9: {  	s0 =	sadd.s32 @!p0 $0x100000, s1;
	[bflag:$0x2] =	sbarrier.arrive $0xFFFF  }
0xaa: {  	[sflag:s0] =	ssyncadd.tile.s32 @!p0 $0x1;
	_ =	shalt  }
.Lfunc_end2:
_tile_overlayer_lowered:
.L_overlay_start_2:
0xab: {  	(tag) =	ssettag $0x2  }
0xac: {  	s0 =	rddreg [dreg:$0x0];
	s2 =	stileid.u32  }
0xad: {  	s1 =	rddreg [dreg:$0x1];
	p0 =	sne.s32 s2, $0x0  }
0xae: {  	s3 =	rddreg [dreg:$0x2];
	[bflag:$0x3] =	sbarrier.arrive $0xFFFF;
	s2 =	simm.s32 @!p0 $0x1C02  }
0xaf: {  	[timem:s3], [sflag:s2] =	dma.local @!p0 [hbm:s0], s1  }
0xb0: {  	s0 =	simm.s32 @!p0 $0x2  }
0xb1: {  	_ =	swait.ge @!p0 [sflag:s0], s1  }
0xb2: {  	s1 =	ssub.s32 @!p0 $0x0, s1;
	[sflag:s0] =	ssyncset.done @!p0 $0x0  }
0xb3: {  	[sflag:s0] =	ssyncadd.s32 @!p0 s1  }
0xb4: {  	[bflag:$0x3] =	sbarrier.arrive $0xFFFF  }
0xb5: {  	_ =	shalt  }

// kernel: sparse-core-data-format-call.1.cloned.1.call-start
scs
called_computation.1_lowered:
.L_overlay_start_0:
0x0: {  	s2 =	sld [smem:$0x3FD9]  }
0x1: {  	s3 =	sld [smem:$0x3FFE];
	_ =	sdelay $0x1  }
0x2: {  	s1 =	srdreg.scid  }
0x3: {  	s0 =	sand.u32 $0x1, s1  }
0x4: {  	s15 =	sshll.u32 s0, $0xA;
	s2 =	sadd.s32 s3, s2  }
0x5: {  	s2 =	sadd.s32 s2, s15  }
0x6: {  	[smem:$0x3FC4] =	sst s2  }
0x7: {  	_ = 	snop  }
0x8: {  	s2 =	sld [smem:$0x3FD0];
	_ =	sdelay $0x2  }
0x9: {  	s16 =	simm.s32 $0xC;
	s4 =	simm.s32 $0x10  }
0xa: {  	[smem:s4], [sflag:s16] =	dma.local [hbm:s2], $0x1  }
0xb: {  	_ =	swait.eq [sflag:s16], $0x1  }
0xc: {  	[sflag:s16] =	ssyncset.done $0x0  }
0xd: {  	[sflag:s16] =	ssyncadd.s32 $0xFFFFFFFF  }
0xe: {  	s17 =	sld [smem:$0x11];
	(tm) =	ssettm $0x1  }
0xf: {  	s18 =	sld [smem:$0x3FFB];
	_ =	sdelay $0x3  }
0x10: {  	_ =	strace s18  }
0x11: {  	s3 =	sld [smem:$0x3FFC];
	_ =	sdelay $0x3  }
0x12: {  	_ =	strace s3  }
0x13: {  	s3 =	sld [smem:$0x3FFD];
	_ =	sdelay $0x3  }
0x14: {  	_ =	strace s3  }
0x15: {  	_ =	strace $0x8FFFFFFF  }
0x16: {  	s19 =	sld [smem:$0x3FDB];
	_ =	sdelay $0x1  }
0x17: {  	s20 =	simm.s32 $_scs_section_size  }
0x18: {  	s5 =	simm.s32 $_size__tile_overlayer_lowered;
	s6 =	simm.s32 $_tile_overlayer_lowered  }
0x19: {  	s23 =	simm.s32 $0x1BFF;
	s22 =	sshll.u32 s6, $0x1;
	s3 =	sadd.s32 s20, s19  }
0x1a: {  	s7 =	simm.s32 $0x0;
	s21 =	sshll.u32 s5, $0x1;
	s5 =	sadd.s32 s22, s3  }
0x1b: {  	[timem:s7], [sflag:s23] =	dma.local [hbm:s5], s21  }
0x1c: {  	_ =	swait.ge [sflag:s23], s21  }
0x1d: {  	s4 =	ssub.s32 $0x0, s21;
	[sflag:s23] =	ssyncset.done $0x0  }
0x1e: {  	[sflag:s23] =	ssyncadd.s32 s4;
	_ =	sdelay $0x1  }
0x1f: {  	s24 =	simm.s32 $0x1B8B  }
0x20: {  	_ =	swait.ge [sflag:s24], $0x1  }
0x21: {  	[sflag:s24] =	ssyncset.done $0x0  }
0x22: {  	s26 =	simm.s32 $0x1B8E;
	s25 =	sld [smem:$0x3FFE];
	[sflag:s24] =	ssyncadd.s32 $0xFFFFFFFF  }
0x23: {  	s27 =	simm.s32 $execute0_lowered;
	[smem:$0x3FD2] =	sst s26  }
0x24: {  	s5 =	sshll.u32 s27, $0x1;
	_ =	strace $0x80000049;
	[dreg:$0x1] =	wrdreg $0xFFFFFFFF  }
0x25: {  	s28 =	simm.s32 $_size_execute0_lowered;
	s3 =	sadd.s32 s3, s5;
	[dreg:$0x0] =	wrdreg $0x0  }
0x26: {  	s5 =	sshll.u32 s28, $0x1;
	[dreg:$0x2] =	wrdreg s3  }
0x27: {  	[dreg:$0x3] =	wrdreg s5  }
0x28: {  	[dreg:$0x4] =	wrdreg $0xC0  }
0x29: {  	_ =	task [dreg:s7], $0x5FFFF  }
0x2a: {  	[dreg:$0x1] =	wrdreg $0xFFFFFFFF  }
0x2b: {  	[dreg:$0x0] =	wrdreg $0x60  }
0x2c: {  	[dreg:$0x2] =	wrdreg s25  }
0x2d: {  	[dreg:$0x3] =	wrdreg s17  }
0x2e: {  	[dreg:$0x4] =	wrdreg $0xA  }
0x2f: {  	_ =	task.clear_ibuf [dreg:s7], $0x5FFFF;
	_ =	strace $0x90000049  }
0x30: {  	s29 =	simm.s32 $0xA;
	_ =	strace $0x8000004B  }
0x31: {  	_ =	swait.ge [sflag:s29], $0x1  }
0x32: {  	[sflag:s29] =	ssyncadd.s32 $0xFFFFFFFF  }
0x33: {  	_ =	strace $0x9000004B  }
0x34: {  	_ =	sfence  }
0x35: {  	s30 =	sld [smem:$0x0];
	_ =	sdelay $0x2  }
0x36: {  	s31 =	sshll.u32 s1, $0xD;
	s1 =	sshrl.u32 s1, $0x2  }
0x37: {  	s3 =	sand.u32 $0x4000, s31;
	s1 =	sadd.s32 s1, s30  }
0x38: {  	s0 =	sor.u32 s3, s0;
	s1 =	sshll.u32 s1, $0x11  }
0x39: {  	s0 =	sor.u32 s1, s0  }
0x3a: {  	s0 =	sadd.s32 $0x8F2B, s0  }
0x3b: {  	[sflag:s0] =	ssyncadd.remote.s32 $0x1  }
0x3c: {  	_ =	sfence.sel $0xFFFF  }
0x3d: {  	[dreg:$0x0] =	wrdreg $0xFFFFFFFF;
	(pc) =	sbr.abs _section_cstart, $3  }
0x3e: {  	[dreg:$0x1] =	wrdreg $0xFFFFFFFF  }
0x3f: {  	_ =	task.clear_ibuf [dreg:s7], $0x2FFFF;
	_ =	strace $0x9FFFFFFF  }
0x40: {  	(tm) =	ssettm $0x7FFFFFFF  }
0x41: {  	_ =	shalt  }
tec
execute0_lowered:
.L_overlay_start_1:
0x0: {  	(tag) =	ssettag $0x1  }
0x1: {  	s0 =	srdreg.scid  }
0x2: {  	s1 =	sshll.u32 s0, $0x4  }
0x3: {  	s0 =	stileid.u32;
	s1 =	sand.u32 $0x10, s1  }
0x4: {  	s1 =	sor.u32 s0, s1  }
0x5: {  	s6 =	rddreg [dreg:$0x0];
	s4 =	simm.s32 $0x1;
	s2 =	sshll.u32 s1, $0x7  }
0x6: {  	s7 =	simm.s32 $0x2;
	s12 =	simm.s32 $0x0;
	s1 =	ssub.s32 $0x4000, s2  }
0x7: {  	s8 =	simm.s32 $0x20000;
	s13 =	simm.s32 $0x0;
	s3 =	sand.u32 $0xF80, s1  }
0x8: {  	s9 =	simm.s32 $0x0;
	s5 =	sshrl.u32 s1, $0xC;
	p0 =	sne.s32 s3, $0x0  }
.Ltmp0:
0x9: {  	s1 =	rddreg [dreg:$0x2];
	s4 =	simm.s32 @!p0 $0x0;
	(pc) =	sbr.rel .LBB1_1-.Ltmp0, $4  }
0xa: {  	s11 =	simm.s32 $0x0;
	s3 =	rddreg [dreg:$0x1];
	s5 =	sadd.s32 s4, s5  }
0xb: {  	_ =	strace $0x8000004A;
	s4 =	simm.s32 $0x1;
	s5 =	smul.u32 $0x14, s5  }
0xc: {  	s6 =	sadd.s32 $0x1400, s6;
	s10 =	smov.u32 s2;
	[sflag:s4] =	ssyncpa.u1 $0x0  }
0xd: {  	p0 =	por $0x0, $0x0;
	[sflag:s7] =	ssyncpa.u1 $0x0;
	s7 =	sor.u32 $0x1, s5  }
.LBB1_4:
0xe: {  	s16 =	sshll.u32 s13, $0x3;
	s17 =	sand.u32 $0x78, s13  }
0xf: {  	s30 =	sand.u32 $0x1F800, s13;
	s12 =	sshll.u32 s12, $0x11;
	s16 =	sand.u32 $0x3C00, s16  }
0x10: {  	[tilespmem:s15+$0x810 ss:$0x81] =	vst.msk $0xffff, v2;
	s31 =	sand.u32 $0x7, s13;
	s16 =	sor.u32 s17, s16;
	s17 =	sadd.s32 s3, s30  }
0x11: {  	[tilespmem:s15+$0x1020 ss:$0x81] =	vst.msk $0xffff, v0;
	s13 =	sshll.u32 s31, $0x12;
	s12 =	sadd.s32 s12, s17;
	s16 =	sshrl.u32 s16, $0x3  }
0x12: {  	[tilespmem:s15+$0x0 ss:$0x81] =	vst.msk $0xffff, v1;
	s13 =	sor.u32 $0x400, s13;
	s12 =	sadd.s32 s16, s12  }
0x13: {  	[hbm4b:s12+s13] =	stream.strided.scatter [tilespmem:s14], [sflag:$0x2], $0x2000, s8, s13, $0x20;
	[tilespmem:$0x8080] =	vst v63  }
.LBB1_5:
0x14: {  	s14 =	sadd.s32 $0x1, s9  }
0x15: {  	s12 =	sadd.s32 $0x1000, s10;
	s16 =	smov.u32 s10;
	p2 =	sgt.s32 s14, $0x13  }
0x16: {  	s16 =	smov.u32 @p2 s12  }
0x17: {  	s14 =	simm.s32 @p2 $0x0;
	p2 =	sgt.s32 s16, $0x3FFF  }
0x18: {  	s16 =	smov.u32 @p2 s2;
	p2 =	sne.s32 s11, s7  }
.Ltmp1:
0x19: {  	p1 =	slt.u32 s11, $0x2;
	(pc) =	sbr.rel @!p2 .LBB1_6-.Ltmp1, $4  }
0x1a: {  	s15 =	simm.s32 @!p1 $0x2  }
0x1b: {  	s13 =	smov.u32 s10;
	p0 =	por !p0, !p0;
	_ =	swait.ge @!p1 [sflag:s15], $0x2000  }
0x1c: {  	s12 =	smov.u32 s9;
	[sflag:s15] =	ssyncset.done @!p1 $0x0;
	s9 =	smov.u32 s14  }
0x1d: {  	s11 =	sadd.s32 $0x1, s11;
	[sflag:s15] =	ssyncadd.s32 @!p1 $0xFFFFE000;
	s10 =	smov.u32 s16  }
.LBB1_1:
0x1e: {  	p1 =	sge.u32 s11, s5  }
0x1f: {  	s14 =	sand.u32 @!p1 $0x1FFFFFF, s9  }
0x20: {  	s15 =	smulhi.u32 @!p1 $0xAAAAAAB, s14;
	_ =	sdelay $0x1  }
0x21: {  	s15 =	smul.u32 @!p1 $0x18, s15  }
0x22: {  	s16 =	sxor.u32 @!p1 $0xFFFFFFFF, s11;
	s17 =	smul.u32 @!p1 $0x180, s10  }
0x23: {  	s31 =	sadd.s32 $0xFFFFFFFF, s11;
	s16 =	sshll.u32 @!p1 s16, $0xD;
	s14 =	ssub.s32 @!p1 s14, s15  }
0x24: {  	s15 =	sand.u32 @!p1 $0x2000, s16;
	s16 =	sadd.s32 @!p1 s6, s17;
	s14 =	sshll.u32 @!p1 s14, $0x4  }
0x25: {  	s17 =	simm.s32 @!p1 $0xC00;
	s14 =	sadd.s32 @!p1 s14, s16;
	s16 =	simm.s32 @!p1 $0x40  }
0x26: {  	[tilespmem:s15], [sflag:$0x1] =	stream.strided.gather @!p1 [hbm4b:s14+s16], $0x2000, s17, s16, $0x38;
	[tilespmem:$0x8080] =	vst v63  }
0x27: {  	p1 =	sge.u32 s31, s5  }
.Ltmp2:
0x28: {  	_ = 	snop;
	(pc) =	sbr.rel @p1 .LBB1_5-.Ltmp2, $1  }
0x29: {  	_ =	sdelay $0x3  }
0x2a: {  	s14 =	simm.s32 $0x1  }
0x2b: {  	_ =	swait.ge [sflag:s4], $0x2000;
	s14 =	simm.s32 @!p0 $0x0  }
0x2c: {  	[sflag:s4] =	ssyncset.done $0x0;
	s15 =	sshll.u32 s14, $0xD  }
0x2d: {  	[sflag:s4] =	ssyncadd.s32 $0xFFFFE000;
	s18 =	sor.u32 $0x20, s15  }
0x2e: {  	s14 =	smul.u32 $0x8100, s14;
	v3 =	vld [tilespmem:s18+$0x10]  }
0x2f: {  	s30 =	sand.u32 $0x1, s11;
	v2 =	vld [tilespmem:s18+$0xFFFFFFF0]  }
0x30: {  	s15 =	smul.u32 $0x8100, s30;
	s14 =	sshrl.u32 s14, $0x2;
	v0 =	vld [tilespmem:s18+$0x0]  }
0x31: {  	v1 =	vld [tilespmem:s18+$0xFFFFFFE0];
	s16 =	sor.u32 $0x4000, s14  }
0x32: {  	s31 =	sshrl.u32 s15, $0x2;
	s15 =	sadd.s32 $0x0, s16  }
0x33: {  	s17 =	simm.s32 $0x4;
	s18 =	sadd.s32 $0x40, s18;
	s14 =	sor.u32 $0x4000, s31;
	[tilespmem:s15+$0x1830 ss:$0x81] =	vst.msk $0xffff, v3  }
.LBB1_3:
0x34: {  	v3 =	vld [tilespmem:s18+$0x10];
	p1 =	sne.s32 s17, $0x1FC;
	[tilespmem:s15+$0x810 ss:$0x81] =	vst.msk $0xffff, v2;
	s19 =	smov.u32 s17;
	s17 =	sadd.s32 $0x4, s17  }
.Ltmp3:
0x35: {  	v2 =	vld [tilespmem:s18+$0xFFFFFFF0];
	[tilespmem:s15+$0x1020 ss:$0x81] =	vst.msk $0xffff, v0;
	(pc) =	sbr.rel @p1 .LBB1_3-.Ltmp3, $4  }
0x36: {  	v0 =	vld [tilespmem:s18+$0x0];
	[tilespmem:s15+$0x0 ss:$0x81] =	vst.msk $0xffff, v1  }
0x37: {  	s15 =	sshra.s32 s19, $0x2;
	v1 =	vld [tilespmem:s18+$0xFFFFFFE0]  }
0x38: {  	s15 =	sadd.s32 s15, s16  }
0x39: {  	s18 =	sadd.s32 $0x40, s18;
	[tilespmem:s15+$0x1830 ss:$0x81] =	vst.msk $0xffff, v3  }
.Ltmp4:
0x3a: {  	_ = 	snop;
	(pc) =	sbr.rel .LBB1_4-.Ltmp4, $1  }
0x3b: {  	_ =	sdelay $0x3  }
.LBB1_6:
0x3c: {  	_ =	sfence.sel $0x180000  }
0x3d: {  	s2 =	simm.s32 $0x1;
	[bflag:$0x0] =	sbarrier.arrive $0xFFFF  }
0x3e: {  	s31 =	simm.s32 $0x2;
	[sflag:s2] =	ssyncpa.u1 $0x1  }
0x3f: {  	[sflag:s31] =	ssyncpa.u1 $0x1  }
0x40: {  	p0 =	sne.s32 s0, $0x0;
	_ =	strace $0x9000004A  }
0x41: {  	s0 =	sadd.s32 @!p0 $0x100000, s1;
	[bflag:$0x2] =	sbarrier.arrive $0xFFFF  }
0x42: {  	[sflag:s0] =	ssyncadd.tile.s32 @!p0 $0x1;
	_ =	shalt  }
.Lfunc_end1:
_tile_overlayer_lowered:
.L_overlay_start_2:
0x43: {  	(tag) =	ssettag $0x2  }
0x44: {  	s0 =	rddreg [dreg:$0x0];
	s2 =	stileid.u32  }
0x45: {  	s1 =	rddreg [dreg:$0x1];
	p0 =	sne.s32 s2, $0x0  }
0x46: {  	s3 =	rddreg [dreg:$0x2];
	[bflag:$0x3] =	sbarrier.arrive $0xFFFF;
	s2 =	simm.s32 @!p0 $0x1C01  }
0x47: {  	[timem:s3], [sflag:s2] =	dma.local @!p0 [hbm:s0], s1  }
0x48: {  	s0 =	simm.s32 @!p0 $0x1  }
0x49: {  	_ =	swait.ge @!p0 [sflag:s0], s1  }
0x4a: {  	s1 =	ssub.s32 @!p0 $0x0, s1;
	[sflag:s0] =	ssyncset.done @!p0 $0x0  }
0x4b: {  	[sflag:s0] =	ssyncadd.s32 @!p0 s1  }
0x4c: {  	[bflag:$0x3] =	sbarrier.arrive $0xFFFF  }
0x4d: {  	_ =	shalt  }

// kernel: sparse-core-data-format-call.2.cloned.1.call-start
scs
called_computation.2_lowered:
.L_overlay_start_0:
0x0: {  	s2 =	sld [smem:$0x3FD9]  }
0x1: {  	s3 =	sld [smem:$0x3FFE];
	_ =	sdelay $0x1  }
0x2: {  	s1 =	srdreg.scid  }
0x3: {  	s0 =	sand.u32 $0x1, s1  }
0x4: {  	s16 =	sshll.u32 s0, $0xA;
	s2 =	sadd.s32 s3, s2  }
0x5: {  	s2 =	sadd.s32 s2, s16  }
0x6: {  	[smem:$0x3FC4] =	sst s2  }
0x7: {  	_ = 	snop  }
0x8: {  	s2 =	sld [smem:$0x3FD0];
	_ =	sdelay $0x2  }
0x9: {  	s17 =	simm.s32 $0xC;
	s4 =	simm.s32 $0x10  }
0xa: {  	[smem:s4], [sflag:s17] =	dma.local [hbm:s2], $0x1  }
0xb: {  	_ =	swait.eq [sflag:s17], $0x1  }
0xc: {  	[sflag:s17] =	ssyncset.done $0x0  }
0xd: {  	[sflag:s17] =	ssyncadd.s32 $0xFFFFFFFF  }
0xe: {  	s18 =	sld [smem:$0x10];
	(tm) =	ssettm $0x1  }
0xf: {  	s19 =	sld [smem:$0x3FFB];
	_ =	sdelay $0x3  }
0x10: {  	_ =	strace s19  }
0x11: {  	s2 =	sld [smem:$0x3FFC];
	_ =	sdelay $0x3  }
0x12: {  	_ =	strace s2  }
0x13: {  	s2 =	sld [smem:$0x3FFD];
	_ =	sdelay $0x3  }
0x14: {  	_ =	strace s2  }
0x15: {  	_ =	strace $0x8FFFFFFF  }
0x16: {  	s20 =	sld [smem:$0x3FDB];
	_ =	sdelay $0x1  }
0x17: {  	s21 =	simm.s32 $_scs_section_size  }
0x18: {  	s5 =	simm.s32 $_size__tile_overlayer_lowered;
	s6 =	simm.s32 $_tile_overlayer_lowered  }
0x19: {  	s7 =	simm.s32 $0x1BFF;
	s22 =	sshll.u32 s6, $0x1;
	s4 =	sadd.s32 s21, s20  }
0x1a: {  	s23 =	simm.s32 $0x0;
	s5 =	sshll.u32 s5, $0x1;
	s6 =	sadd.s32 s22, s4  }
0x1b: {  	[timem:s23], [sflag:s7] =	dma.local [hbm:s6], s5  }
0x1c: {  	_ =	swait.ge [sflag:s7], s5  }
0x1d: {  	s5 =	ssub.s32 $0x0, s5;
	[sflag:s7] =	ssyncset.done $0x0  }
0x1e: {  	[sflag:s7] =	ssyncadd.s32 s5;
	_ =	sdelay $0x1  }
0x1f: {  	s24 =	simm.s32 $0x1B8B  }
0x20: {  	_ =	swait.ge [sflag:s24], $0x1  }
0x21: {  	[sflag:s24] =	ssyncset.done $0x0  }
0x22: {  	[sflag:s24] =	ssyncadd.s32 $0xFFFFFFFF  }
0x23: {  	s5 =	sld [smem:$0x0]  }
0x24: {  	s6 =	sand.u32 $0xFFFFFFFE, s1  }
0x25: {  	p0 =	sne.s32 s1, s6  }
0x26: {  	s6 =	sshll.u32 @p0 s6, $0xE  }
0x27: {  	s6 =	sadd.s32 @p0 $0x11B8D, s6;
	s7 =	sshll.u32 @p0 s5, $0x11  }
0x28: {  	s6 =	sor.u32 @p0 s7, s6  }
0x29: {  	[sflag:s6] =	ssyncadd.remote.s32 @p0 $0x1;
	_ =	sdelay $0x1  }
0x2a: {  	s6 =	simm.s32 @p0 $0x1B8D  }
0x2b: {  	_ =	swait.eq @p0 [sflag:s6], $0x1  }
0x2c: {  	[sflag:s6] =	ssyncadd.s32 @p0 $0xFFFFFFFF  }
0x2d: {  	s7 =	sshll.u32 @!p0 s1, $0xE  }
0x2e: {  	s7 =	sor.u32 @!p0 $0x4000, s7;
	s6 =	simm.s32 @!p0 $0x1B8D  }
0x2f: {  	s5 =	sshll.u32 @!p0 s5, $0x11;
	s7 =	sadd.s32 @!p0 $0x11B8D, s7;
	_ =	swait.eq @!p0 [sflag:s6], $0x1  }
0x30: {  	s5 =	sor.u32 @!p0 s5, s7;
	[sflag:s6] =	ssyncadd.s32 @!p0 $0xFFFFFFFF  }
0x31: {  	s26 =	simm.s32 $0x1B8E;
	s25 =	sld [smem:$0x3FFE];
	[sflag:s5] =	ssyncadd.remote.s32 @!p0 $0x1  }
0x32: {  	s27 =	simm.s32 $execute0_lowered;
	[smem:$0x3FD2] =	sst s26  }
0x33: {  	s6 =	sshll.u32 s27, $0x1;
	_ =	strace $0x8000004C;
	[dreg:$0x1] =	wrdreg $0xFFFFFFFF  }
0x34: {  	s28 =	simm.s32 $_size_execute0_lowered;
	s4 =	sadd.s32 s4, s6;
	[dreg:$0x0] =	wrdreg $0x0  }
0x35: {  	s6 =	sshll.u32 s28, $0x1;
	[dreg:$0x2] =	wrdreg s4  }
0x36: {  	[dreg:$0x3] =	wrdreg s6  }
0x37: {  	[dreg:$0x4] =	wrdreg $0xC0  }
0x38: {  	_ =	task [dreg:s23], $0x5FFFF  }
0x39: {  	[dreg:$0x1] =	wrdreg $0xFFFFFFFF  }
0x3a: {  	[dreg:$0x0] =	wrdreg $0x60  }
0x3b: {  	[dreg:$0x2] =	wrdreg s25  }
0x3c: {  	[dreg:$0x3] =	wrdreg s18  }
0x3d: {  	[dreg:$0x4] =	wrdreg $0xB  }
0x3e: {  	_ =	task.clear_ibuf [dreg:s23], $0x5FFFF;
	_ =	strace $0x9000004C  }
0x3f: {  	s29 =	simm.s32 $0xB;
	_ =	strace $0x8000004E  }
0x40: {  	_ =	swait.ge [sflag:s29], $0x1  }
0x41: {  	[sflag:s29] =	ssyncadd.s32 $0xFFFFFFFF  }
0x42: {  	_ =	strace $0x9000004E  }
0x43: {  	_ =	sfence  }
0x44: {  	s30 =	sld [smem:$0x0];
	_ =	sdelay $0x2  }
0x45: {  	s31 =	sshll.u32 s1, $0xD;
	s1 =	sshrl.u32 s1, $0x2  }
0x46: {  	s4 =	sand.u32 $0x4000, s31;
	s1 =	sadd.s32 s1, s30  }
0x47: {  	s0 =	sor.u32 s4, s0;
	s1 =	sshll.u32 s1, $0x11  }
0x48: {  	s0 =	sor.u32 s1, s0  }
0x49: {  	s0 =	sadd.s32 $0x8F2B, s0  }
0x4a: {  	[sflag:s0] =	ssyncadd.remote.s32 $0x1  }
0x4b: {  	_ =	sfence.sel $0xFFFF  }
0x4c: {  	[dreg:$0x0] =	wrdreg $0xFFFFFFFF;
	(pc) =	sbr.abs _section_cstart, $3  }
0x4d: {  	[dreg:$0x1] =	wrdreg $0xFFFFFFFF  }
0x4e: {  	_ =	task.clear_ibuf [dreg:s23], $0x2FFFF;
	_ =	strace $0x9FFFFFFF  }
0x4f: {  	(tm) =	ssettm $0x7FFFFFFF  }
tec
execute0_lowered:
.L_overlay_start_1:
0x0: {  	(tag) =	ssettag $0x1  }
0x1: {  	s0 =	srdreg.scid  }
0x2: {  	s1 =	sshll.u32 s0, $0x4  }
0x3: {  	s0 =	stileid.u32;
	s1 =	sand.u32 $0x10, s1  }
0x4: {  	s1 =	sor.u32 s0, s1  }
0x5: {  	s6 =	rddreg [dreg:$0x0];
	s4 =	simm.s32 $0x1;
	s2 =	sshll.u32 s1, $0x7  }
0x6: {  	s7 =	simm.s32 $0x2;
	s12 =	simm.s32 $0x0;
	s1 =	ssub.s32 $0x4000, s2  }
0x7: {  	s8 =	simm.s32 $0x20000;
	s13 =	simm.s32 $0x0;
	s3 =	sand.u32 $0xF80, s1  }
0x8: {  	s9 =	simm.s32 $0x0;
	s5 =	sshrl.u32 s1, $0xC;
	p0 =	sne.s32 s3, $0x0  }
.Ltmp0:
0x9: {  	s1 =	rddreg [dreg:$0x2];
	s4 =	simm.s32 @!p0 $0x0;
	(pc) =	sbr.rel .LBB1_1-.Ltmp0, $4  }
0xa: {  	s11 =	simm.s32 $0x0;
	s3 =	rddreg [dreg:$0x1];
	s5 =	sadd.s32 s4, s5  }
0xb: {  	_ =	strace $0x8000004D;
	s4 =	simm.s32 $0x1;
	s5 =	smul.u32 $0x14, s5  }
0xc: {  	s6 =	sadd.s32 $0x601400, s6;
	s10 =	smov.u32 s2;
	[sflag:s4] =	ssyncpa.u1 $0x0  }
0xd: {  	p0 =	por $0x0, $0x0;
	[sflag:s7] =	ssyncpa.u1 $0x0;
	s7 =	sor.u32 $0x1, s5  }
.LBB1_4:
0xe: {  	s16 =	sshll.u32 s13, $0x3;
	s17 =	sand.u32 $0x78, s13  }
0xf: {  	s30 =	sand.u32 $0x1F800, s13;
	s12 =	sshll.u32 s12, $0x11;
	s16 =	sand.u32 $0x3C00, s16  }
0x10: {  	[tilespmem:s15+$0x810 ss:$0x81] =	vst.msk $0xffff, v2;
	s31 =	sand.u32 $0x7, s13;
	s16 =	sor.u32 s17, s16;
	s17 =	sadd.s32 s3, s30  }
0x11: {  	[tilespmem:s15+$0x1020 ss:$0x81] =	vst.msk $0xffff, v0;
	s13 =	sshll.u32 s31, $0x12;
	s12 =	sadd.s32 s12, s17;
	s16 =	sshrl.u32 s16, $0x3  }
0x12: {  	[tilespmem:s15+$0x0 ss:$0x81] =	vst.msk $0xffff, v1;
	s13 =	sor.u32 $0x400, s13;
	s12 =	sadd.s32 s16, s12  }
0x13: {  	[hbm4b:s12+s13] =	stream.strided.scatter [tilespmem:s14], [sflag:$0x2], $0x2000, s8, s13, $0x20;
	[tilespmem:$0x8080] =	vst v63  }
.LBB1_5:
0x14: {  	s14 =	sadd.s32 $0x1, s9  }
0x15: {  	s12 =	sadd.s32 $0x1000, s10;
	s16 =	smov.u32 s10;
	p2 =	sgt.s32 s14, $0x13  }
0x16: {  	s16 =	smov.u32 @p2 s12  }
0x17: {  	s14 =	simm.s32 @p2 $0x0;
	p2 =	sgt.s32 s16, $0x3FFF  }
0x18: {  	s16 =	smov.u32 @p2 s2;
	p2 =	sne.s32 s11, s7  }
.Ltmp1:
0x19: {  	p1 =	slt.u32 s11, $0x2;
	(pc) =	sbr.rel @!p2 .LBB1_6-.Ltmp1, $4  }
0x1a: {  	s15 =	simm.s32 @!p1 $0x2  }
0x1b: {  	s13 =	smov.u32 s10;
	p0 =	por !p0, !p0;
	_ =	swait.ge @!p1 [sflag:s15], $0x2000  }
0x1c: {  	s12 =	smov.u32 s9;
	[sflag:s15] =	ssyncset.done @!p1 $0x0;
	s9 =	smov.u32 s14  }
0x1d: {  	s11 =	sadd.s32 $0x1, s11;
	[sflag:s15] =	ssyncadd.s32 @!p1 $0xFFFFE000;
	s10 =	smov.u32 s16  }
.LBB1_1:
0x1e: {  	p1 =	sge.u32 s11, s5  }
0x1f: {  	s14 =	sand.u32 @!p1 $0x1FFFFFF, s9  }
0x20: {  	s15 =	smulhi.u32 @!p1 $0xAAAAAAB, s14;
	_ =	sdelay $0x1  }
0x21: {  	s15 =	smul.u32 @!p1 $0x18, s15  }
0x22: {  	s16 =	sxor.u32 @!p1 $0xFFFFFFFF, s11;
	s17 =	smul.u32 @!p1 $0x180, s10  }
0x23: {  	s31 =	sadd.s32 $0xFFFFFFFF, s11;
	s16 =	sshll.u32 @!p1 s16, $0xD;
	s14 =	ssub.s32 @!p1 s14, s15  }
0x24: {  	s15 =	sand.u32 @!p1 $0x2000, s16;
	s16 =	sadd.s32 @!p1 s6, s17;
	s14 =	sshll.u32 @!p1 s14, $0x4  }
0x25: {  	s17 =	simm.s32 @!p1 $0xC00;
	s14 =	sadd.s32 @!p1 s14, s16;
	s16 =	simm.s32 @!p1 $0x40  }
0x26: {  	[tilespmem:s15], [sflag:$0x1] =	stream.strided.gather @!p1 [hbm4b:s14+s16], $0x2000, s17, s16, $0x38;
	[tilespmem:$0x8080] =	vst v63  }
0x27: {  	p1 =	sge.u32 s31, s5  }
.Ltmp2:
0x28: {  	_ = 	snop;
	(pc) =	sbr.rel @p1 .LBB1_5-.Ltmp2, $1  }
0x29: {  	_ =	sdelay $0x3  }
0x2a: {  	s14 =	simm.s32 $0x1  }
0x2b: {  	_ =	swait.ge [sflag:s4], $0x2000;
	s14 =	simm.s32 @!p0 $0x0  }
0x2c: {  	[sflag:s4] =	ssyncset.done $0x0;
	s15 =	sshll.u32 s14, $0xD  }
0x2d: {  	[sflag:s4] =	ssyncadd.s32 $0xFFFFE000;
	s18 =	sor.u32 $0x20, s15  }
0x2e: {  	s14 =	smul.u32 $0x8100, s14;
	v3 =	vld [tilespmem:s18+$0x10]  }
0x2f: {  	s30 =	sand.u32 $0x1, s11;
	v2 =	vld [tilespmem:s18+$0xFFFFFFF0]  }
0x30: {  	s15 =	smul.u32 $0x8100, s30;
	s14 =	sshrl.u32 s14, $0x2;
	v0 =	vld [tilespmem:s18+$0x0]  }
0x31: {  	v1 =	vld [tilespmem:s18+$0xFFFFFFE0];
	s16 =	sor.u32 $0x4000, s14  }
0x32: {  	s31 =	sshrl.u32 s15, $0x2;
	s15 =	sadd.s32 $0x0, s16  }
0x33: {  	s17 =	simm.s32 $0x4;
	s18 =	sadd.s32 $0x40, s18;
	s14 =	sor.u32 $0x4000, s31;
	[tilespmem:s15+$0x1830 ss:$0x81] =	vst.msk $0xffff, v3  }
.LBB1_3:
0x34: {  	v3 =	vld [tilespmem:s18+$0x10];
	p1 =	sne.s32 s17, $0x1FC;
	[tilespmem:s15+$0x810 ss:$0x81] =	vst.msk $0xffff, v2;
	s19 =	smov.u32 s17;
	s17 =	sadd.s32 $0x4, s17  }
.Ltmp3:
0x35: {  	v2 =	vld [tilespmem:s18+$0xFFFFFFF0];
	[tilespmem:s15+$0x1020 ss:$0x81] =	vst.msk $0xffff, v0;
	(pc) =	sbr.rel @p1 .LBB1_3-.Ltmp3, $4  }
0x36: {  	v0 =	vld [tilespmem:s18+$0x0];
	[tilespmem:s15+$0x0 ss:$0x81] =	vst.msk $0xffff, v1  }
0x37: {  	s15 =	sshra.s32 s19, $0x2;
	v1 =	vld [tilespmem:s18+$0xFFFFFFE0]  }
0x38: {  	s15 =	sadd.s32 s15, s16  }
0x39: {  	s18 =	sadd.s32 $0x40, s18;
	[tilespmem:s15+$0x1830 ss:$0x81] =	vst.msk $0xffff, v3  }
.Ltmp4:
0x3a: {  	_ = 	snop;
	(pc) =	sbr.rel .LBB1_4-.Ltmp4, $1  }
0x3b: {  	_ =	sdelay $0x3  }
.LBB1_6:
0x3c: {  	_ =	sfence.sel $0x180000  }
0x3d: {  	s2 =	simm.s32 $0x1;
	[bflag:$0x0] =	sbarrier.arrive $0xFFFF  }
0x3e: {  	s31 =	simm.s32 $0x2;
	[sflag:s2] =	ssyncpa.u1 $0x1  }
0x3f: {  	[sflag:s31] =	ssyncpa.u1 $0x1  }
0x40: {  	p0 =	sne.s32 s0, $0x0;
	_ =	strace $0x9000004D  }
0x41: {  	s0 =	sadd.s32 @!p0 $0x100000, s1;
	[bflag:$0x2] =	sbarrier.arrive $0xFFFF  }
0x42: {  	[sflag:s0] =	ssyncadd.tile.s32 @!p0 $0x1;
	_ =	shalt  }
.Lfunc_end1:
_tile_overlayer_lowered:
.L_overlay_start_2:
0x43: {  	(tag) =	ssettag $0x2  }
0x44: {  	s0 =	rddreg [dreg:$0x0];
	s2 =	stileid.u32  }
0x45: {  	s1 =	rddreg [dreg:$0x1];
	p0 =	sne.s32 s2, $0x0  }
0x46: {  	s3 =	rddreg [dreg:$0x2];
	[bflag:$0x3] =	sbarrier.arrive $0xFFFF;
	s2 =	simm.s32 @!p0 $0x1C01  }
0x47: {  	[timem:s3], [sflag:s2] =	dma.local @!p0 [hbm:s0], s1  }
0x48: {  	s0 =	simm.s32 @!p0 $0x1  }
0x49: {  	_ =	swait.ge @!p0 [sflag:s0], s1  }
0x4a: {  	s1 =	ssub.s32 @!p0 $0x0, s1;
	[sflag:s0] =	ssyncset.done @!p0 $0x0  }
0x4b: {  	[sflag:s0] =	ssyncadd.s32 @!p0 s1  }
0x4c: {  	[bflag:$0x3] =	sbarrier.arrive $0xFFFF  }
0x4d: {  	_ =	shalt  }

// kernel: sparse-core-data-format-call.cloned.1.call-start
scs
called_computation_lowered:
.L_overlay_start_0:
0x0: {  	s2 =	sld [smem:$0x3FD9]  }
0x1: {  	s3 =	sld [smem:$0x3FFE];
	_ =	sdelay $0x1  }
0x2: {  	s1 =	srdreg.scid  }
0x3: {  	s0 =	sand.u32 $0x1, s1  }
0x4: {  	s16 =	sshll.u32 s0, $0xA;
	s2 =	sadd.s32 s3, s2  }
0x5: {  	s2 =	sadd.s32 s2, s16  }
0x6: {  	[smem:$0x3FC4] =	sst s2  }
0x7: {  	_ = 	snop  }
0x8: {  	s2 =	sld [smem:$0x3FD0];
	_ =	sdelay $0x2  }
0x9: {  	s17 =	simm.s32 $0xC;
	s4 =	simm.s32 $0x10  }
0xa: {  	[smem:s4], [sflag:s17] =	dma.local [hbm:s2], $0x1  }
0xb: {  	_ =	swait.eq [sflag:s17], $0x1  }
0xc: {  	[sflag:s17] =	ssyncset.done $0x0  }
0xd: {  	[sflag:s17] =	ssyncadd.s32 $0xFFFFFFFF  }
0xe: {  	s18 =	sld [smem:$0x12];
	(tm) =	ssettm $0x1  }
0xf: {  	s19 =	sld [smem:$0x3FFB];
	_ =	sdelay $0x3  }
0x10: {  	_ =	strace s19  }
0x11: {  	s2 =	sld [smem:$0x3FFC];
	_ =	sdelay $0x3  }
0x12: {  	_ =	strace s2  }
0x13: {  	s2 =	sld [smem:$0x3FFD];
	_ =	sdelay $0x3  }
0x14: {  	_ =	strace s2  }
0x15: {  	_ =	strace $0x8FFFFFFF  }
0x16: {  	s20 =	sld [smem:$0x3FDB];
	_ =	sdelay $0x1  }
0x17: {  	s21 =	simm.s32 $_scs_section_size  }
0x18: {  	s5 =	simm.s32 $_size__tile_overlayer_lowered;
	s6 =	simm.s32 $_tile_overlayer_lowered  }
0x19: {  	s7 =	simm.s32 $0x1BFF;
	s22 =	sshll.u32 s6, $0x1;
	s4 =	sadd.s32 s21, s20  }
0x1a: {  	s23 =	simm.s32 $0x0;
	s5 =	sshll.u32 s5, $0x1;
	s6 =	sadd.s32 s22, s4  }
0x1b: {  	[timem:s23], [sflag:s7] =	dma.local [hbm:s6], s5  }
0x1c: {  	_ =	swait.ge [sflag:s7], s5  }
0x1d: {  	s5 =	ssub.s32 $0x0, s5;
	[sflag:s7] =	ssyncset.done $0x0  }
0x1e: {  	[sflag:s7] =	ssyncadd.s32 s5;
	_ =	sdelay $0x1  }
0x1f: {  	s24 =	simm.s32 $0x1B8B  }
0x20: {  	_ =	swait.ge [sflag:s24], $0x1  }
0x21: {  	[sflag:s24] =	ssyncset.done $0x0  }
0x22: {  	[sflag:s24] =	ssyncadd.s32 $0xFFFFFFFF  }
0x23: {  	s5 =	sld [smem:$0x0]  }
0x24: {  	s6 =	sand.u32 $0xFFFFFFFE, s1  }
0x25: {  	p0 =	sne.s32 s1, s6  }
0x26: {  	s6 =	sshll.u32 @p0 s6, $0xE  }
0x27: {  	s6 =	sadd.s32 @p0 $0x11B8D, s6;
	s7 =	sshll.u32 @p0 s5, $0x11  }
0x28: {  	s6 =	sor.u32 @p0 s7, s6  }
0x29: {  	[sflag:s6] =	ssyncadd.remote.s32 @p0 $0x1;
	_ =	sdelay $0x1  }
0x2a: {  	s6 =	simm.s32 @p0 $0x1B8D  }
0x2b: {  	_ =	swait.eq @p0 [sflag:s6], $0x1  }
0x2c: {  	[sflag:s6] =	ssyncadd.s32 @p0 $0xFFFFFFFF  }
0x2d: {  	s7 =	sshll.u32 @!p0 s1, $0xE  }
0x2e: {  	s7 =	sor.u32 @!p0 $0x4000, s7;
	s6 =	simm.s32 @!p0 $0x1B8D  }
0x2f: {  	s5 =	sshll.u32 @!p0 s5, $0x11;
	s7 =	sadd.s32 @!p0 $0x11B8D, s7;
	_ =	swait.eq @!p0 [sflag:s6], $0x1  }
0x30: {  	s5 =	sor.u32 @!p0 s5, s7;
	[sflag:s6] =	ssyncadd.s32 @!p0 $0xFFFFFFFF  }
0x31: {  	s26 =	simm.s32 $0x1B8E;
	s25 =	sld [smem:$0x3FFE];
	[sflag:s5] =	ssyncadd.remote.s32 @!p0 $0x1  }
0x32: {  	s27 =	simm.s32 $execute0_lowered;
	[smem:$0x3FD2] =	sst s26  }
0x33: {  	s6 =	sshll.u32 s27, $0x1;
	_ =	strace $0x8000004F;
	[dreg:$0x1] =	wrdreg $0xFFFFFFFF  }
0x34: {  	s28 =	simm.s32 $_size_execute0_lowered;
	s4 =	sadd.s32 s4, s6;
	[dreg:$0x0] =	wrdreg $0x0  }
0x35: {  	s6 =	sshll.u32 s28, $0x1;
	[dreg:$0x2] =	wrdreg s4  }
0x36: {  	[dreg:$0x3] =	wrdreg s6  }
0x37: {  	[dreg:$0x4] =	wrdreg $0xC0  }
0x38: {  	_ =	task [dreg:s23], $0x5FFFF  }
0x39: {  	[dreg:$0x1] =	wrdreg $0xFFFFFFFF  }
0x3a: {  	[dreg:$0x0] =	wrdreg $0x60  }
0x3b: {  	[dreg:$0x2] =	wrdreg s25  }
0x3c: {  	[dreg:$0x3] =	wrdreg s18  }
0x3d: {  	[dreg:$0x4] =	wrdreg $0x9  }
0x3e: {  	_ =	task.clear_ibuf [dreg:s23], $0x5FFFF;
	_ =	strace $0x9000004F  }
0x3f: {  	s29 =	simm.s32 $0x9;
	_ =	strace $0x80000051  }
0x40: {  	_ =	swait.ge [sflag:s29], $0x1  }
0x41: {  	[sflag:s29] =	ssyncadd.s32 $0xFFFFFFFF  }
0x42: {  	_ =	strace $0x90000051  }
0x43: {  	_ =	sfence  }
0x44: {  	s30 =	sld [smem:$0x0];
	_ =	sdelay $0x2  }
0x45: {  	s31 =	sshll.u32 s1, $0xD;
	s1 =	sshrl.u32 s1, $0x2  }
0x46: {  	s4 =	sand.u32 $0x4000, s31;
	s1 =	sadd.s32 s1, s30  }
0x47: {  	s0 =	sor.u32 s4, s0;
	s1 =	sshll.u32 s1, $0x11  }
0x48: {  	s0 =	sor.u32 s1, s0  }
0x49: {  	s0 =	sadd.s32 $0x8F2B, s0  }
0x4a: {  	[sflag:s0] =	ssyncadd.remote.s32 $0x1  }
0x4b: {  	_ =	sfence.sel $0xFFFF  }
0x4c: {  	[dreg:$0x0] =	wrdreg $0xFFFFFFFF;
	(pc) =	sbr.abs _section_cstart, $3  }
0x4d: {  	[dreg:$0x1] =	wrdreg $0xFFFFFFFF  }
0x4e: {  	_ =	task.clear_ibuf [dreg:s23], $0x2FFFF;
	_ =	strace $0x9FFFFFFF  }
0x4f: {  	(tm) =	ssettm $0x7FFFFFFF  }
tec
execute0_lowered:
.L_overlay_start_1:
0x0: {  	(tag) =	ssettag $0x1  }
0x1: {  	s0 =	srdreg.scid  }
0x2: {  	s1 =	sshll.u32 s0, $0x4  }
0x3: {  	s0 =	stileid.u32;
	s1 =	sand.u32 $0x10, s1  }
0x4: {  	s1 =	sor.u32 s0, s1  }
0x5: {  	s6 =	rddreg [dreg:$0x0];
	s4 =	simm.s32 $0x1;
	s2 =	sshll.u32 s1, $0x7  }
0x6: {  	s7 =	simm.s32 $0x2;
	s12 =	simm.s32 $0x0;
	s1 =	ssub.s32 $0x4000, s2  }
0x7: {  	s8 =	simm.s32 $0x20000;
	s13 =	simm.s32 $0x0;
	s3 =	sand.u32 $0xF80, s1  }
0x8: {  	s9 =	simm.s32 $0x0;
	s5 =	sshrl.u32 s1, $0xC;
	p0 =	sne.s32 s3, $0x0  }
.Ltmp0:
0x9: {  	s1 =	rddreg [dreg:$0x2];
	s4 =	simm.s32 @!p0 $0x0;
	(pc) =	sbr.rel .LBB1_1-.Ltmp0, $4  }
0xa: {  	s11 =	simm.s32 $0x0;
	s3 =	rddreg [dreg:$0x1];
	s5 =	sadd.s32 s4, s5  }
0xb: {  	_ =	strace $0x80000050;
	s4 =	simm.s32 $0x1;
	s5 =	smul.u32 $0x14, s5  }
0xc: {  	s6 =	sadd.s32 $0xC01400, s6;
	s10 =	smov.u32 s2;
	[sflag:s4] =	ssyncpa.u1 $0x0  }
0xd: {  	p0 =	por $0x0, $0x0;
	[sflag:s7] =	ssyncpa.u1 $0x0;
	s7 =	sor.u32 $0x1, s5  }
.LBB1_4:
0xe: {  	s16 =	sshll.u32 s13, $0x3;
	s17 =	sand.u32 $0x78, s13  }
0xf: {  	s30 =	sand.u32 $0x1F800, s13;
	s12 =	sshll.u32 s12, $0x11;
	s16 =	sand.u32 $0x3C00, s16  }
0x10: {  	[tilespmem:s15+$0x810 ss:$0x81] =	vst.msk $0xffff, v2;
	s31 =	sand.u32 $0x7, s13;
	s16 =	sor.u32 s17, s16;
	s17 =	sadd.s32 s3, s30  }
0x11: {  	[tilespmem:s15+$0x1020 ss:$0x81] =	vst.msk $0xffff, v0;
	s13 =	sshll.u32 s31, $0x12;
	s12 =	sadd.s32 s12, s17;
	s16 =	sshrl.u32 s16, $0x3  }
0x12: {  	[tilespmem:s15+$0x0 ss:$0x81] =	vst.msk $0xffff, v1;
	s13 =	sor.u32 $0x400, s13;
	s12 =	sadd.s32 s16, s12  }
0x13: {  	[hbm4b:s12+s13] =	stream.strided.scatter [tilespmem:s14], [sflag:$0x2], $0x2000, s8, s13, $0x20;
	[tilespmem:$0x8080] =	vst v63  }
.LBB1_5:
0x14: {  	s14 =	sadd.s32 $0x1, s9  }
0x15: {  	s12 =	sadd.s32 $0x1000, s10;
	s16 =	smov.u32 s10;
	p2 =	sgt.s32 s14, $0x13  }
0x16: {  	s16 =	smov.u32 @p2 s12  }
0x17: {  	s14 =	simm.s32 @p2 $0x0;
	p2 =	sgt.s32 s16, $0x3FFF  }
0x18: {  	s16 =	smov.u32 @p2 s2;
	p2 =	sne.s32 s11, s7  }
.Ltmp1:
0x19: {  	p1 =	slt.u32 s11, $0x2;
	(pc) =	sbr.rel @!p2 .LBB1_6-.Ltmp1, $4  }
0x1a: {  	s15 =	simm.s32 @!p1 $0x2  }
0x1b: {  	s13 =	smov.u32 s10;
	p0 =	por !p0, !p0;
	_ =	swait.ge @!p1 [sflag:s15], $0x2000  }
0x1c: {  	s12 =	smov.u32 s9;
	[sflag:s15] =	ssyncset.done @!p1 $0x0;
	s9 =	smov.u32 s14  }
0x1d: {  	s11 =	sadd.s32 $0x1, s11;
	[sflag:s15] =	ssyncadd.s32 @!p1 $0xFFFFE000;
	s10 =	smov.u32 s16  }
.LBB1_1:
0x1e: {  	p1 =	sge.u32 s11, s5  }
0x1f: {  	s14 =	sand.u32 @!p1 $0x1FFFFFF, s9  }
0x20: {  	s15 =	smulhi.u32 @!p1 $0xAAAAAAB, s14;
	_ =	sdelay $0x1  }
0x21: {  	s15 =	smul.u32 @!p1 $0x18, s15  }
0x22: {  	s16 =	sxor.u32 @!p1 $0xFFFFFFFF, s11;
	s17 =	smul.u32 @!p1 $0x180, s10  }
0x23: {  	s31 =	sadd.s32 $0xFFFFFFFF, s11;
	s16 =	sshll.u32 @!p1 s16, $0xD;
	s14 =	ssub.s32 @!p1 s14, s15  }
0x24: {  	s15 =	sand.u32 @!p1 $0x2000, s16;
	s16 =	sadd.s32 @!p1 s6, s17;
	s14 =	sshll.u32 @!p1 s14, $0x4  }
0x25: {  	s17 =	simm.s32 @!p1 $0xC00;
	s14 =	sadd.s32 @!p1 s14, s16;
	s16 =	simm.s32 @!p1 $0x40  }
0x26: {  	[tilespmem:s15], [sflag:$0x1] =	stream.strided.gather @!p1 [hbm4b:s14+s16], $0x2000, s17, s16, $0x38;
	[tilespmem:$0x8080] =	vst v63  }
0x27: {  	p1 =	sge.u32 s31, s5  }
.Ltmp2:
0x28: {  	_ = 	snop;
	(pc) =	sbr.rel @p1 .LBB1_5-.Ltmp2, $1  }
0x29: {  	_ =	sdelay $0x3  }
0x2a: {  	s14 =	simm.s32 $0x1  }
0x2b: {  	_ =	swait.ge [sflag:s4], $0x2000;
	s14 =	simm.s32 @!p0 $0x0  }
0x2c: {  	[sflag:s4] =	ssyncset.done $0x0;
	s15 =	sshll.u32 s14, $0xD  }
0x2d: {  	[sflag:s4] =	ssyncadd.s32 $0xFFFFE000;
	s18 =	sor.u32 $0x20, s15  }
0x2e: {  	s14 =	smul.u32 $0x8100, s14;
	v3 =	vld [tilespmem:s18+$0x10]  }
0x2f: {  	s30 =	sand.u32 $0x1, s11;
	v2 =	vld [tilespmem:s18+$0xFFFFFFF0]  }
0x30: {  	s15 =	smul.u32 $0x8100, s30;
	s14 =	sshrl.u32 s14, $0x2;
	v0 =	vld [tilespmem:s18+$0x0]  }
0x31: {  	v1 =	vld [tilespmem:s18+$0xFFFFFFE0];
	s16 =	sor.u32 $0x4000, s14  }
0x32: {  	s31 =	sshrl.u32 s15, $0x2;
	s15 =	sadd.s32 $0x0, s16  }
0x33: {  	s17 =	simm.s32 $0x4;
	s18 =	sadd.s32 $0x40, s18;
	s14 =	sor.u32 $0x4000, s31;
	[tilespmem:s15+$0x1830 ss:$0x81] =	vst.msk $0xffff, v3  }
.LBB1_3:
0x34: {  	v3 =	vld [tilespmem:s18+$0x10];
	p1 =	sne.s32 s17, $0x1FC;
	[tilespmem:s15+$0x810 ss:$0x81] =	vst.msk $0xffff, v2;
	s19 =	smov.u32 s17;
	s17 =	sadd.s32 $0x4, s17  }
.Ltmp3:
0x35: {  	v2 =	vld [tilespmem:s18+$0xFFFFFFF0];
	[tilespmem:s15+$0x1020 ss:$0x81] =	vst.msk $0xffff, v0;
	(pc) =	sbr.rel @p1 .LBB1_3-.Ltmp3, $4  }
0x36: {  	v0 =	vld [tilespmem:s18+$0x0];
	[tilespmem:s15+$0x0 ss:$0x81] =	vst.msk $0xffff, v1  }
0x37: {  	s15 =	sshra.s32 s19, $0x2;
	v1 =	vld [tilespmem:s18+$0xFFFFFFE0]  }
0x38: {  	s15 =	sadd.s32 s15, s16  }
0x39: {  	s18 =	sadd.s32 $0x40, s18;
	[tilespmem:s15+$0x1830 ss:$0x81] =	vst.msk $0xffff, v3  }
.Ltmp4:
0x3a: {  	_ = 	snop;
	(pc) =	sbr.rel .LBB1_4-.Ltmp4, $1  }
0x3b: {  	_ =	sdelay $0x3  }
.LBB1_6:
0x3c: {  	_ =	sfence.sel $0x180000  }
0x3d: {  	s2 =	simm.s32 $0x1;
	[bflag:$0x0] =	sbarrier.arrive $0xFFFF  }
0x3e: {  	s31 =	simm.s32 $0x2;
	[sflag:s2] =	ssyncpa.u1 $0x1  }
0x3f: {  	[sflag:s31] =	ssyncpa.u1 $0x1  }
0x40: {  	p0 =	sne.s32 s0, $0x0;
	_ =	strace $0x90000050  }
0x41: {  	s0 =	sadd.s32 @!p0 $0x100000, s1;
	[bflag:$0x2] =	sbarrier.arrive $0xFFFF  }
0x42: {  	[sflag:s0] =	ssyncadd.tile.s32 @!p0 $0x1;
	_ =	shalt  }
.Lfunc_end1:
_tile_overlayer_lowered:
.L_overlay_start_2:
0x43: {  	(tag) =	ssettag $0x2  }
0x44: {  	s0 =	rddreg [dreg:$0x0];
	s2 =	stileid.u32  }
0x45: {  	s1 =	rddreg [dreg:$0x1];
	p0 =	sne.s32 s2, $0x0  }
0x46: {  	s3 =	rddreg [dreg:$0x2];
	[bflag:$0x3] =	sbarrier.arrive $0xFFFF;
	s2 =	simm.s32 @!p0 $0x1C01  }
0x47: {  	[timem:s3], [sflag:s2] =	dma.local @!p0 [hbm:s0], s1  }
0x48: {  	s0 =	simm.s32 @!p0 $0x1  }
0x49: {  	_ =	swait.ge @!p0 [sflag:s0], s1  }
0x4a: {  	s1 =	ssub.s32 @!p0 $0x0, s1;
	[sflag:s0] =	ssyncset.done @!p0 $0x0  }
0x4b: {  	[sflag:s0] =	ssyncadd.s32 @!p0 s1  }
0x4c: {  	[bflag:$0x3] =	sbarrier.arrive $0xFFFF  }
0x4d: {  	_ =	shalt  }

</sc_bundles>
